<compile_context>
chip_gen: v7x
topology: tpu7x:2x2x1
jax: 0.10.2.dev20260603
libtpu: 0.0.44.dev20260713+nightly
codegen_flags: <defaults>
</compile_context>

<pallas_src>
import functools

import jax
import jax.numpy as jnp
from jax import lax
from jax.experimental import pallas as pl
from jax.experimental.pallas import tpu as pltpu
from jax.experimental.pallas import tpu_sc as plsc

V = 1000000
D = 64
LABELS = 2
B = 4096
L = 200

NW = 32
BPW = B // NW
LA = 96
LB = L - LA

VBLK = 8192

_mesh = plsc.VectorSubcoreMesh(core_axis_name="c", subcore_axis_name="s")


def _tw_body(w_ref, t_ref, o_ref):
    o_ref[...] = jax.lax.dot_general(
        w_ref[...], t_ref[...], (((1,), (1,)), ((), ())),
        precision=jax.lax.Precision.DEFAULT)[:LABELS, :]


_tw_kernel = pl.pallas_call(
    _tw_body,
    grid=((V + VBLK - 1) // VBLK,),
    in_specs=[
        pl.BlockSpec((8, D), lambda i: (0, 0)),
        pl.BlockSpec((VBLK, D), lambda i: (i, 0)),
    ],
    out_specs=pl.BlockSpec((LABELS, VBLK), lambda i: (0, i)),
    out_shape=jax.ShapeDtypeStruct((LABELS, V), jnp.float32),
)


@functools.partial(
    pl.kernel,
    out_type=jax.ShapeDtypeStruct((B * LABELS,), jnp.float32),
    mesh=_mesh,
    compiler_params=pltpu.CompilerParams(
        needs_layout_passes=False, use_tc_tiling_on_sc=False),
    scratch_types=[
        pltpu.VMEM((2, L), jnp.int32),
        pltpu.VMEM((2, L), jnp.float32),
        pltpu.VMEM((2, L), jnp.float32),
        pltpu.VMEM((BPW + 16,), jnp.float32),
        pltpu.VMEM((16,), jnp.float32),
        pltpu.VMEM((BPW * 16,), jnp.float32),
        pltpu.VMEM((BPW * LABELS,), jnp.float32),
        pltpu.SemaphoreType.DMA,
        pltpu.SemaphoreType.DMA,
        pltpu.SemaphoreType.DMA,
        pltpu.SemaphoreType.DMA,
    ],
)
def _embd_sc_kernel(x_hbm, xlen_hbm, tw0_hbm, tw1_hbm, b_hbm, out_hbm,
                    idx_v, g0, g1, xlen_v, b_v, tmp_v, out_v,
                    gsem0, gsem1, isem0, isem1):
    wid = lax.axis_index("s") * 2 + lax.axis_index("c")
    base = wid * BPW

    pltpu.sync_copy(xlen_hbm.at[pl.ds(base, BPW)], xlen_v.at[pl.ds(0, BPW)])
    pltpu.sync_copy(b_hbm, b_v)

    gsem = (gsem0, gsem1)
    isem = (isem0, isem1)

    bvec = b_v[...]
    b0 = bvec[0]
    b1 = bvec[1]
    lane = lax.iota(jnp.int32, 16)
    tail_mask = lane >= 8

    def idx_copy(r, slot):
        r = jnp.minimum(r, BPW - 1)
        return pltpu.make_async_copy(
            x_hbm.at[pl.ds((base + r) * L, L)], idx_v.at[slot], isem[slot])

    def gathers(slot):
        yield pltpu.make_async_copy(
            tw0_hbm.at[idx_v.at[slot, pl.ds(0, LA)]],
            g0.at[slot, pl.ds(0, LA)], gsem[slot])
        yield pltpu.make_async_copy(
            tw0_hbm.at[idx_v.at[slot, pl.ds(LA, LB)]],
            g0.at[slot, pl.ds(LA, LB)], gsem[slot])
        yield pltpu.make_async_copy(
            tw1_hbm.at[idx_v.at[slot, pl.ds(0, LA)]],
            g1.at[slot, pl.ds(0, LA)], gsem[slot])
        yield pltpu.make_async_copy(
            tw1_hbm.at[idx_v.at[slot, pl.ds(LA, LB)]],
            g1.at[slot, pl.ds(LA, LB)], gsem[slot])

    def gather_start(slot):
        for cp in gathers(slot):
            cp.start()

    def gather_wait(slot):
        for cp in gathers(slot):
            cp.wait()

    def reduce_row(slot, r):
        z = jnp.zeros((16,), jnp.float32)

        def red(i, accs):
            a0, a1 = accs
            a0 = a0 + g0[slot, pl.ds(i * 16, 16)]
            a1 = a1 + g1[slot, pl.ds(i * 16, 16)]
            return (a0, a1)

        a0, a1 = lax.fori_loop(0, L // 16, red, (z, z), unroll=12)
        t0 = g0[slot, pl.ds(L - 16, 16)]
        t1 = g1[slot, pl.ds(L - 16, 16)]
        a0 = a0 + jnp.where(tail_mask, t0, 0.0)
        a1 = a1 + jnp.where(tail_mask, t1, 0.0)

        inv = (1.0 / xlen_v[pl.ds(r, 16)])[0]
        s0 = jnp.sum(a0) * inv + b0
        s1 = jnp.sum(a1) * inv + b1
        vres = jnp.where(lane == 0, jnp.full((16,), s0, jnp.float32),
                         jnp.full((16,), s1, jnp.float32))
        vres = 1.0 / (1.0 + jnp.exp(-vres))
        tmp_v[pl.ds(r * 16, 16)] = vres

    idx_copy(0, 0).start()
    idx_copy(1, 1).start()
    idx_copy(0, 0).wait()
    gather_start(0)
    idx_copy(1, 1).wait()
    gather_start(1)

    def pair_body(rp, _):
        r0 = 2 * rp
        gather_wait(0)
        idx_copy(r0 + 2, 0).start()
        reduce_row(0, r0)
        gather_wait(1)
        idx_copy(r0 + 3, 1).start()
        idx_copy(r0 + 2, 0).wait()
        gather_start(0)
        reduce_row(1, r0 + 1)
        idx_copy(r0 + 3, 1).wait()
        gather_start(1)
        return 0

    lax.fori_loop(0, BPW // 2, pair_body, 0)

    gather_wait(0)
    gather_wait(1)

    def pack_body(g, _):
        idx = ((lane >> 1) + g * 8) * 16 + (lane & 1)
        out_v[pl.ds(g * 16, 16)] = plsc.load_gather(tmp_v, [idx])
        return 0

    lax.fori_loop(0, (BPW * LABELS) // 16, pack_body, 0)

    pltpu.sync_copy(out_v, out_hbm.at[pl.ds(base * LABELS, BPW * LABELS)])


def kernel(x, xlength, embd_table, fc_W, fc_b):
    w_pad = jnp.zeros((8, D), jnp.float32).at[:LABELS].set(fc_W)
    tw = _tw_kernel(w_pad, embd_table)
    tw0 = tw[0]
    tw1 = tw[1]
    x_flat = x.reshape(B * L)
    xlen_flat = xlength.reshape(B)
    b_pad = jnp.zeros((16,), jnp.float32).at[:LABELS].set(fc_b)
    out_flat = _embd_sc_kernel(x_flat, xlen_flat, tw0, tw1, b_pad)
    return out_flat.reshape(B, LABELS)

# --- scband reference (transcript-rebuilt; emitter-appended) ---
"""Pipeline reference for scband-embdclassifier-33758442947328 (READ-ONLY COPY).

The authoritative reference and input builder live on the scoring server;
editing this copy changes nothing except your own understanding.
"""

import jax, jax.numpy as jnp
import numpy as np

V = 1000000
D = 64
LABELS = 2
B = 4096
L = 200


def setup_inputs(seed: int = 0) -> dict:
    key = jax.random.key(seed)
    k1, k2, k3 = jax.random.split(key, 3)
    x = jax.random.randint(k1, (B, L), 0, V, dtype=jnp.int64 if jax.config.jax_enable_x64 else jnp.int32).astype(jnp.int32)
    xlength = jnp.ones((B, 1), dtype=jnp.float32)
    # learned params
    embd_table = jax.random.normal(k2, (V, D), dtype=jnp.float32)
    fc_W = jax.random.normal(k3, (LABELS, D), dtype=jnp.float32) * 0.05  # torch Linear weight [out, in]
    fc_b = jnp.zeros((LABELS,), dtype=jnp.float32)
    return {"x": x, "xlength": xlength, "embd_table": embd_table, "fc_W": fc_W, "fc_b": fc_b}


def reference(x, xlength, embd_table, fc_W, fc_b):
    # x = self.embd(x)  -> gather rows from the embedding table
    e = jnp.take(embd_table, x, axis=0)          # [B, L, D]
    # x = torch.sum(x, dim=1) / self.xlength
    s = jnp.sum(e, axis=1) / xlength             # [B, D]
    # x = self.fc(x)  -> Linear + Sigmoid
    out = jax.nn.sigmoid(s @ fc_W.T + fc_b)      # [B, labels]
    return out

if __name__ == "__main__":
    import jax
    _d = setup_inputs()
    print(jax.jit(kernel)(*tuple(_d.values())))

</pallas_src>

<mosaic_0001>
#map = affine_map<(d0, d1) -> (0)>
module attributes {stable_mosaic.version = 14 : i64} {
  func.func @_embd_sc_kernel(%arg0: i32, %arg1: i32, %arg2: memref<819200xi32, #tpu.memory_space<hbm>>, %arg3: memref<4096xf32, #tpu.memory_space<hbm>>, %arg4: memref<1000000xf32, #tpu.memory_space<hbm>>, %arg5: memref<1000000xf32, #tpu.memory_space<hbm>>, %arg6: memref<16xf32, #tpu.memory_space<hbm>>, %arg7: memref<8192xf32, #tpu.memory_space<hbm>>, %arg8: memref<2x200xi32, #tpu.memory_space<vmem>>, %arg9: memref<2x200xf32, #tpu.memory_space<vmem>>, %arg10: memref<2x200xf32, #tpu.memory_space<vmem>>, %arg11: memref<144xf32, #tpu.memory_space<vmem>>, %arg12: memref<16xf32, #tpu.memory_space<vmem>>, %arg13: memref<2048xf32, #tpu.memory_space<vmem>>, %arg14: memref<256xf32, #tpu.memory_space<vmem>>, %arg15: memref<!tpu.dma_semaphore, #tpu.memory_space<semaphore_mem>>, %arg16: memref<!tpu.dma_semaphore, #tpu.memory_space<semaphore_mem>>, %arg17: memref<!tpu.dma_semaphore, #tpu.memory_space<semaphore_mem>>, %arg18: memref<!tpu.dma_semaphore, #tpu.memory_space<semaphore_mem>>) attributes {dimension_semantics = [#tpu.dimension_semantics<core_parallel>, #tpu.dimension_semantics<subcore_parallel>], iteration_bounds = array<i64: 2, 16>, scalar_prefetch = 0 : i64, scratch_operands = 11 : i64, tpu.core_type = #tpu.core_type<sc_vector_subcore>, window_params = [{transform_indices = #map}, {transform_indices = #map}, {transform_indices = #map}, {transform_indices = #map}, {transform_indices = #map}, {transform_indices = #map}]} {
    %mul3A = arith.constant 2 : i32
    %mul3A_0 = arith.muli %arg1, %mul3A : i32
    %add3A = arith.addi %mul3A_0, %arg0 : i32
    %mul3A_1 = arith.constant 128 : i32
    %mul3A_2 = arith.muli %add3A, %mul3A_1 : i32
    "tpu.region"() ({
      %run_scoped3A = tpu.sem_alloc : memref<!tpu.dma_semaphore, #tpu.memory_space<semaphore_mem>>
      %dma_start3A_240 = arith.constant 0 : i32
      %dma_start3A_241 = tpu.memref_slice %arg11[%dma_start3A_240] : memref<144xf32, #tpu.memory_space<vmem>> -> memref<128xf32, #tpu.memory_space<vmem>>
      %dma_start3A_242 = tpu.memref_slice %arg3[%mul3A_2] : memref<4096xf32, #tpu.memory_space<hbm>> -> memref<128xf32, #tpu.memory_space<hbm>>
      %dma_start3A_243 = arith.constant 0 : i32
      %dma_start3A_244 = tpu.memref_slice %arg11[%dma_start3A_243] : memref<144xf32, #tpu.memory_space<vmem>> -> memref<128xf32, #tpu.memory_space<vmem>>
      %dma_start3A_245 = tpu.memref_slice %arg3[%mul3A_2] : memref<4096xf32, #tpu.memory_space<hbm>> -> memref<128xf32, #tpu.memory_space<hbm>>
      tpu.enqueue_dma source(%dma_start3A_245 : memref<128xf32, #tpu.memory_space<hbm>>) target(%dma_start3A_244 : memref<128xf32, #tpu.memory_space<vmem>>) target_semaphore(%run_scoped3A : memref<!tpu.dma_semaphore, #tpu.memory_space<semaphore_mem>>)
      %dma_wait3A_246 = arith.constant 0 : i32
      %dma_wait3A_247 = tpu.memref_slice %arg11[%dma_wait3A_246] : memref<144xf32, #tpu.memory_space<vmem>> -> memref<128xf32, #tpu.memory_space<vmem>>
      %dma_wait3A_248 = tpu.memref_slice %arg3[%mul3A_2] : memref<4096xf32, #tpu.memory_space<hbm>> -> memref<128xf32, #tpu.memory_space<hbm>>
      %dma_wait3A_249 = arith.constant 0 : i32
      %dma_wait3A_250 = tpu.memref_slice %arg11[%dma_wait3A_249] : memref<144xf32, #tpu.memory_space<vmem>> -> memref<128xf32, #tpu.memory_space<vmem>>
      %dma_wait3A_251 = tpu.memref_slice %arg3[%mul3A_2] : memref<4096xf32, #tpu.memory_space<hbm>> -> memref<128xf32, #tpu.memory_space<hbm>>
      tpu.wait_dma2 semaphore(%run_scoped3A : memref<!tpu.dma_semaphore, #tpu.memory_space<semaphore_mem>>) src(%dma_wait3A_251 : memref<128xf32, #tpu.memory_space<hbm>>) dst(%dma_wait3A_250 : memref<128xf32, #tpu.memory_space<vmem>>)
      tpu.yield
    }) : () -> ()
    "tpu.region"() ({
      %run_scoped3A = tpu.sem_alloc : memref<!tpu.dma_semaphore, #tpu.memory_space<semaphore_mem>>
      tpu.enqueue_dma source(%arg6 : memref<16xf32, #tpu.memory_space<hbm>>) target(%arg12 : memref<16xf32, #tpu.memory_space<vmem>>) target_semaphore(%run_scoped3A : memref<!tpu.dma_semaphore, #tpu.memory_space<semaphore_mem>>)
      tpu.wait_dma2 semaphore(%run_scoped3A : memref<!tpu.dma_semaphore, #tpu.memory_space<semaphore_mem>>) src(%arg6 : memref<16xf32, #tpu.memory_space<hbm>>) dst(%arg12 : memref<16xf32, #tpu.memory_space<vmem>>)
      tpu.yield
    }) : () -> ()
    %get3A = arith.constant 0 : index
    %get3A_3 = tpu.vector_load %arg12[%get3A] {strides = array<i32>} : memref<16xf32, #tpu.memory_space<vmem>>, vector<16xf32>,
    %slice3A = vector.extract_strided_slice %get3A_3 {offsets = [0], sizes = [1], strides = [1]} : vector<16xf32> to vector<1xf32>
    %squeeze3A = vector.extract %slice3A[0] : f32 from vector<1xf32>
    %slice3A_4 = vector.extract_strided_slice %get3A_3 {offsets = [1], sizes = [1], strides = [1]} : vector<16xf32> to vector<1xf32>
    %squeeze3A_5 = vector.extract %slice3A_4[0] : f32 from vector<1xf32>
    %iota3A = tpu.iota {dimensions = array<i32: 0>} : vector<16xi32>
    %ge3A = arith.constant 8 : i32
    %ge3A_6 = vector.broadcast %ge3A : i32 to vector<16xi32>
    %ge3A_7 = arith.cmpi sge, %iota3A, %ge3A_6 : vector<16xi32>
    %min3A = arith.constant 0 : i32
    %min3A_8 = arith.constant 127 : i32
    %min3A_9 = arith.minsi %min3A, %min3A_8 : i32
    %add3A_10 = arith.addi %mul3A_2, %min3A_9 : i32
    %mul3A_11 = arith.constant 200 : i32
    %mul3A_12 = arith.muli %add3A_10, %mul3A_11 : i32
    %dma_start3A = arith.constant 0 : i32
    %dma_start3A_13 = arith.constant 0 : i32
    %dma_start3A_14 = tpu.memref_slice %arg8[%dma_start3A, %dma_start3A_13] : memref<2x200xi32, #tpu.memory_space<vmem>> -> memref<1x200xi32, #tpu.memory_space<vmem>>
    %dma_start3A_15 = tpu.memref_squeeze %dma_start3A_14 : memref<1x200xi32, #tpu.memory_space<vmem>> -> memref<200xi32, #tpu.memory_space<vmem>>
    %dma_start3A_16 = tpu.memref_slice %arg2[%mul3A_12] : memref<819200xi32, #tpu.memory_space<hbm>> -> memref<200xi32, #tpu.memory_space<hbm>>
    %dma_start3A_17 = arith.constant 0 : i32
    %dma_start3A_18 = tpu.memref_slice %arg8[%dma_start3A, %dma_start3A_17] : memref<2x200xi32, #tpu.memory_space<vmem>> -> memref<1x200xi32, #tpu.memory_space<vmem>>
    %dma_start3A_19 = tpu.memref_squeeze %dma_start3A_18 : memref<1x200xi32, #tpu.memory_space<vmem>> -> memref<200xi32, #tpu.memory_space<vmem>>
    %dma_start3A_20 = tpu.memref_slice %arg2[%mul3A_12] : memref<819200xi32, #tpu.memory_space<hbm>> -> memref<200xi32, #tpu.memory_space<hbm>>
    tpu.enqueue_dma source(%dma_start3A_20 : memref<200xi32, #tpu.memory_space<hbm>>) target(%dma_start3A_19 : memref<200xi32, #tpu.memory_space<vmem>>) target_semaphore(%arg17 : memref<!tpu.dma_semaphore, #tpu.memory_space<semaphore_mem>>)
    %min3A_21 = arith.constant 1 : i32
    %min3A_22 = arith.constant 127 : i32
    %min3A_23 = arith.minsi %min3A_21, %min3A_22 : i32
    %add3A_24 = arith.addi %mul3A_2, %min3A_23 : i32
    %mul3A_25 = arith.constant 200 : i32
    %mul3A_26 = arith.muli %add3A_24, %mul3A_25 : i32
    %dma_start3A_27 = arith.constant 1 : i32
    %dma_start3A_28 = arith.constant 0 : i32
    %dma_start3A_29 = tpu.memref_slice %arg8[%dma_start3A_27, %dma_start3A_28] : memref<2x200xi32, #tpu.memory_space<vmem>> -> memref<1x200xi32, #tpu.memory_space<vmem>>
    %dma_start3A_30 = tpu.memref_squeeze %dma_start3A_29 : memref<1x200xi32, #tpu.memory_space<vmem>> -> memref<200xi32, #tpu.memory_space<vmem>>
    %dma_start3A_31 = tpu.memref_slice %arg2[%mul3A_26] : memref<819200xi32, #tpu.memory_space<hbm>> -> memref<200xi32, #tpu.memory_space<hbm>>
    %dma_start3A_32 = arith.constant 0 : i32
    %dma_start3A_33 = tpu.memref_slice %arg8[%dma_start3A_27, %dma_start3A_32] : memref<2x200xi32, #tpu.memory_space<vmem>> -> memref<1x200xi32, #tpu.memory_space<vmem>>
    %dma_start3A_34 = tpu.memref_squeeze %dma_start3A_33 : memref<1x200xi32, #tpu.memory_space<vmem>> -> memref<200xi32, #tpu.memory_space<vmem>>
    %dma_start3A_35 = tpu.memref_slice %arg2[%mul3A_26] : memref<819200xi32, #tpu.memory_space<hbm>> -> memref<200xi32, #tpu.memory_space<hbm>>
    tpu.enqueue_dma source(%dma_start3A_35 : memref<200xi32, #tpu.memory_space<hbm>>) target(%dma_start3A_34 : memref<200xi32, #tpu.memory_space<vmem>>) target_semaphore(%arg18 : memref<!tpu.dma_semaphore, #tpu.memory_space<semaphore_mem>>)
    %min3A_36 = arith.constant 0 : i32
    %min3A_37 = arith.constant 127 : i32
    %min3A_38 = arith.minsi %min3A_36, %min3A_37 : i32
    %add3A_39 = arith.addi %mul3A_2, %min3A_38 : i32
    %mul3A_40 = arith.constant 200 : i32
    %mul3A_41 = arith.muli %add3A_39, %mul3A_40 : i32
    %dma_wait3A = arith.constant 0 : i32
    %dma_wait3A_42 = arith.constant 0 : i32
    %dma_wait3A_43 = tpu.memref_slice %arg8[%dma_wait3A, %dma_wait3A_42] : memref<2x200xi32, #tpu.memory_space<vmem>> -> memref<1x200xi32, #tpu.memory_space<vmem>>
    %dma_wait3A_44 = tpu.memref_squeeze %dma_wait3A_43 : memref<1x200xi32, #tpu.memory_space<vmem>> -> memref<200xi32, #tpu.memory_space<vmem>>
    %dma_wait3A_45 = tpu.memref_slice %arg2[%mul3A_41] : memref<819200xi32, #tpu.memory_space<hbm>> -> memref<200xi32, #tpu.memory_space<hbm>>
    %dma_wait3A_46 = arith.constant 0 : i32
    %dma_wait3A_47 = tpu.memref_slice %arg8[%dma_wait3A, %dma_wait3A_46] : memref<2x200xi32, #tpu.memory_space<vmem>> -> memref<1x200xi32, #tpu.memory_space<vmem>>
    %dma_wait3A_48 = tpu.memref_squeeze %dma_wait3A_47 : memref<1x200xi32, #tpu.memory_space<vmem>> -> memref<200xi32, #tpu.memory_space<vmem>>
    %dma_wait3A_49 = tpu.memref_slice %arg2[%mul3A_41] : memref<819200xi32, #tpu.memory_space<hbm>> -> memref<200xi32, #tpu.memory_space<hbm>>
    tpu.wait_dma2 semaphore(%arg17 : memref<!tpu.dma_semaphore, #tpu.memory_space<semaphore_mem>>) src(%dma_wait3A_49 : memref<200xi32, #tpu.memory_space<hbm>>) dst(%dma_wait3A_48 : memref<200xi32, #tpu.memory_space<vmem>>)
    %dma_start3A_50 = arith.constant 0 : i32
    %dma_start3A_51 = arith.constant 0 : i32
    %dma_start3A_52 = arith.constant 0 : i32
    %dma_start3A_53 = tpu.memref_slice %arg9[%dma_start3A_51, %dma_start3A_52] : memref<2x200xf32, #tpu.memory_space<vmem>> -> memref<1x96xf32, #tpu.memory_space<vmem>>
    %dma_start3A_54 = tpu.memref_squeeze %dma_start3A_53 : memref<1x96xf32, #tpu.memory_space<vmem>> -> memref<96xf32, #tpu.memory_space<vmem>>
    %dma_start3A_55 = arith.constant 0 : i32
    %dma_start3A_56 = tpu.memref_slice %arg8[%dma_start3A_50, %dma_start3A_55] : memref<2x200xi32, #tpu.memory_space<vmem>> -> memref<1x96xi32, #tpu.memory_space<vmem>>
    %dma_start3A_57 = tpu.memref_squeeze %dma_start3A_56 : memref<1x96xi32, #tpu.memory_space<vmem>> -> memref<96xi32, #tpu.memory_space<vmem>>
    %dma_start3A_58 = arith.constant 0 : i32
    %dma_start3A_59 = tpu.memref_slice %arg4[%dma_start3A_58] : memref<1000000xf32, #tpu.memory_space<hbm>> -> memref<1000000xf32, #tpu.memory_space<hbm>>
    tpu.enqueue_indirect_dma source(%dma_start3A_59 : memref<1000000xf32, #tpu.memory_space<hbm>>) target(%dma_start3A_54 : memref<96xf32, #tpu.memory_space<vmem>>) offsets(%dma_start3A_57 : memref<96xi32, #tpu.memory_space<vmem>>) semaphore(%arg15 : memref<!tpu.dma_semaphore, #tpu.memory_space<semaphore_mem>>)
    %dma_start3A_60 = arith.constant 0 : i32
    %dma_start3A_61 = arith.constant 0 : i32
    %dma_start3A_62 = arith.constant 96 : i32
    %dma_start3A_63 = tpu.memref_slice %arg9[%dma_start3A_61, %dma_start3A_62] : memref<2x200xf32, #tpu.memory_space<vmem>> -> memref<1x104xf32, #tpu.memory_space<vmem>>
    %dma_start3A_64 = tpu.memref_squeeze %dma_start3A_63 : memref<1x104xf32, #tpu.memory_space<vmem>> -> memref<104xf32, #tpu.memory_space<vmem>>
    %dma_start3A_65 = arith.constant 96 : i32
    %dma_start3A_66 = tpu.memref_slice %arg8[%dma_start3A_60, %dma_start3A_65] : memref<2x200xi32, #tpu.memory_space<vmem>> -> memref<1x104xi32, #tpu.memory_space<vmem>>
    %dma_start3A_67 = tpu.memref_squeeze %dma_start3A_66 : memref<1x104xi32, #tpu.memory_space<vmem>> -> memref<104xi32, #tpu.memory_space<vmem>>
    %dma_start3A_68 = arith.constant 0 : i32
    %dma_start3A_69 = tpu.memref_slice %arg4[%dma_start3A_68] : memref<1000000xf32, #tpu.memory_space<hbm>> -> memref<1000000xf32, #tpu.memory_space<hbm>>
    tpu.enqueue_indirect_dma source(%dma_start3A_69 : memref<1000000xf32, #tpu.memory_space<hbm>>) target(%dma_start3A_64 : memref<104xf32, #tpu.memory_space<vmem>>) offsets(%dma_start3A_67 : memref<104xi32, #tpu.memory_space<vmem>>) semaphore(%arg15 : memref<!tpu.dma_semaphore, #tpu.memory_space<semaphore_mem>>)
    %dma_start3A_70 = arith.constant 0 : i32
    %dma_start3A_71 = arith.constant 0 : i32
    %dma_start3A_72 = arith.constant 0 : i32
    %dma_start3A_73 = tpu.memref_slice %arg10[%dma_start3A_71, %dma_start3A_72] : memref<2x200xf32, #tpu.memory_space<vmem>> -> memref<1x96xf32, #tpu.memory_space<vmem>>
    %dma_start3A_74 = tpu.memref_squeeze %dma_start3A_73 : memref<1x96xf32, #tpu.memory_space<vmem>> -> memref<96xf32, #tpu.memory_space<vmem>>
    %dma_start3A_75 = arith.constant 0 : i32
    %dma_start3A_76 = tpu.memref_slice %arg8[%dma_start3A_70, %dma_start3A_75] : memref<2x200xi32, #tpu.memory_space<vmem>> -> memref<1x96xi32, #tpu.memory_space<vmem>>
    %dma_start3A_77 = tpu.memref_squeeze %dma_start3A_76 : memref<1x96xi32, #tpu.memory_space<vmem>> -> memref<96xi32, #tpu.memory_space<vmem>>
    %dma_start3A_78 = arith.constant 0 : i32
    %dma_start3A_79 = tpu.memref_slice %arg5[%dma_start3A_78] : memref<1000000xf32, #tpu.memory_space<hbm>> -> memref<1000000xf32, #tpu.memory_space<hbm>>
    tpu.enqueue_indirect_dma source(%dma_start3A_79 : memref<1000000xf32, #tpu.memory_space<hbm>>) target(%dma_start3A_74 : memref<96xf32, #tpu.memory_space<vmem>>) offsets(%dma_start3A_77 : memref<96xi32, #tpu.memory_space<vmem>>) semaphore(%arg15 : memref<!tpu.dma_semaphore, #tpu.memory_space<semaphore_mem>>)
    %dma_start3A_80 = arith.constant 0 : i32
    %dma_start3A_81 = arith.constant 0 : i32
    %dma_start3A_82 = arith.constant 96 : i32
    %dma_start3A_83 = tpu.memref_slice %arg10[%dma_start3A_81, %dma_start3A_82] : memref<2x200xf32, #tpu.memory_space<vmem>> -> memref<1x104xf32, #tpu.memory_space<vmem>>
    %dma_start3A_84 = tpu.memref_squeeze %dma_start3A_83 : memref<1x104xf32, #tpu.memory_space<vmem>> -> memref<104xf32, #tpu.memory_space<vmem>>
    %dma_start3A_85 = arith.constant 96 : i32
    %dma_start3A_86 = tpu.memref_slice %arg8[%dma_start3A_80, %dma_start3A_85] : memref<2x200xi32, #tpu.memory_space<vmem>> -> memref<1x104xi32, #tpu.memory_space<vmem>>
    %dma_start3A_87 = tpu.memref_squeeze %dma_start3A_86 : memref<1x104xi32, #tpu.memory_space<vmem>> -> memref<104xi32, #tpu.memory_space<vmem>>
    %dma_start3A_88 = arith.constant 0 : i32
    %dma_start3A_89 = tpu.memref_slice %arg5[%dma_start3A_88] : memref<1000000xf32, #tpu.memory_space<hbm>> -> memref<1000000xf32, #tpu.memory_space<hbm>>
    tpu.enqueue_indirect_dma source(%dma_start3A_89 : memref<1000000xf32, #tpu.memory_space<hbm>>) target(%dma_start3A_84 : memref<104xf32, #tpu.memory_space<vmem>>) offsets(%dma_start3A_87 : memref<104xi32, #tpu.memory_space<vmem>>) semaphore(%arg15 : memref<!tpu.dma_semaphore, #tpu.memory_space<semaphore_mem>>)
    %min3A_90 = arith.constant 1 : i32
    %min3A_91 = arith.constant 127 : i32
    %min3A_92 = arith.minsi %min3A_90, %min3A_91 : i32
    %add3A_93 = arith.addi %mul3A_2, %min3A_92 : i32
    %mul3A_94 = arith.constant 200 : i32
    %mul3A_95 = arith.muli %add3A_93, %mul3A_94 : i32
    %dma_wait3A_96 = arith.constant 1 : i32
    %dma_wait3A_97 = arith.constant 0 : i32
    %dma_wait3A_98 = tpu.memref_slice %arg8[%dma_wait3A_96, %dma_wait3A_97] : memref<2x200xi32, #tpu.memory_space<vmem>> -> memref<1x200xi32, #tpu.memory_space<vmem>>
    %dma_wait3A_99 = tpu.memref_squeeze %dma_wait3A_98 : memref<1x200xi32, #tpu.memory_space<vmem>> -> memref<200xi32, #tpu.memory_space<vmem>>
    %dma_wait3A_100 = tpu.memref_slice %arg2[%mul3A_95] : memref<819200xi32, #tpu.memory_space<hbm>> -> memref<200xi32, #tpu.memory_space<hbm>>
    %dma_wait3A_101 = arith.constant 0 : i32
    %dma_wait3A_102 = tpu.memref_slice %arg8[%dma_wait3A_96, %dma_wait3A_101] : memref<2x200xi32, #tpu.memory_space<vmem>> -> memref<1x200xi32, #tpu.memory_space<vmem>>
    %dma_wait3A_103 = tpu.memref_squeeze %dma_wait3A_102 : memref<1x200xi32, #tpu.memory_space<vmem>> -> memref<200xi32, #tpu.memory_space<vmem>>
    %dma_wait3A_104 = tpu.memref_slice %arg2[%mul3A_95] : memref<819200xi32, #tpu.memory_space<hbm>> -> memref<200xi32, #tpu.memory_space<hbm>>
    tpu.wait_dma2 semaphore(%arg18 : memref<!tpu.dma_semaphore, #tpu.memory_space<semaphore_mem>>) src(%dma_wait3A_104 : memref<200xi32, #tpu.memory_space<hbm>>) dst(%dma_wait3A_103 : memref<200xi32, #tpu.memory_space<vmem>>)
    %dma_start3A_105 = arith.constant 1 : i32
    %dma_start3A_106 = arith.constant 1 : i32
    %dma_start3A_107 = arith.constant 0 : i32
    %dma_start3A_108 = tpu.memref_slice %arg9[%dma_start3A_106, %dma_start3A_107] : memref<2x200xf32, #tpu.memory_space<vmem>> -> memref<1x96xf32, #tpu.memory_space<vmem>>
    %dma_start3A_109 = tpu.memref_squeeze %dma_start3A_108 : memref<1x96xf32, #tpu.memory_space<vmem>> -> memref<96xf32, #tpu.memory_space<vmem>>
    %dma_start3A_110 = arith.constant 0 : i32
    %dma_start3A_111 = tpu.memref_slice %arg8[%dma_start3A_105, %dma_start3A_110] : memref<2x200xi32, #tpu.memory_space<vmem>> -> memref<1x96xi32, #tpu.memory_space<vmem>>
    %dma_start3A_112 = tpu.memref_squeeze %dma_start3A_111 : memref<1x96xi32, #tpu.memory_space<vmem>> -> memref<96xi32, #tpu.memory_space<vmem>>
    %dma_start3A_113 = arith.constant 0 : i32
    %dma_start3A_114 = tpu.memref_slice %arg4[%dma_start3A_113] : memref<1000000xf32, #tpu.memory_space<hbm>> -> memref<1000000xf32, #tpu.memory_space<hbm>>
    tpu.enqueue_indirect_dma source(%dma_start3A_114 : memref<1000000xf32, #tpu.memory_space<hbm>>) target(%dma_start3A_109 : memref<96xf32, #tpu.memory_space<vmem>>) offsets(%dma_start3A_112 : memref<96xi32, #tpu.memory_space<vmem>>) semaphore(%arg16 : memref<!tpu.dma_semaphore, #tpu.memory_space<semaphore_mem>>)
    %dma_start3A_115 = arith.constant 1 : i32
    %dma_start3A_116 = arith.constant 1 : i32
    %dma_start3A_117 = arith.constant 96 : i32
    %dma_start3A_118 = tpu.memref_slice %arg9[%dma_start3A_116, %dma_start3A_117] : memref<2x200xf32, #tpu.memory_space<vmem>> -> memref<1x104xf32, #tpu.memory_space<vmem>>
    %dma_start3A_119 = tpu.memref_squeeze %dma_start3A_118 : memref<1x104xf32, #tpu.memory_space<vmem>> -> memref<104xf32, #tpu.memory_space<vmem>>
    %dma_start3A_120 = arith.constant 96 : i32
    %dma_start3A_121 = tpu.memref_slice %arg8[%dma_start3A_115, %dma_start3A_120] : memref<2x200xi32, #tpu.memory_space<vmem>> -> memref<1x104xi32, #tpu.memory_space<vmem>>
    %dma_start3A_122 = tpu.memref_squeeze %dma_start3A_121 : memref<1x104xi32, #tpu.memory_space<vmem>> -> memref<104xi32, #tpu.memory_space<vmem>>
    %dma_start3A_123 = arith.constant 0 : i32
    %dma_start3A_124 = tpu.memref_slice %arg4[%dma_start3A_123] : memref<1000000xf32, #tpu.memory_space<hbm>> -> memref<1000000xf32, #tpu.memory_space<hbm>>
    tpu.enqueue_indirect_dma source(%dma_start3A_124 : memref<1000000xf32, #tpu.memory_space<hbm>>) target(%dma_start3A_119 : memref<104xf32, #tpu.memory_space<vmem>>) offsets(%dma_start3A_122 : memref<104xi32, #tpu.memory_space<vmem>>) semaphore(%arg16 : memref<!tpu.dma_semaphore, #tpu.memory_space<semaphore_mem>>)
    %dma_start3A_125 = arith.constant 1 : i32
    %dma_start3A_126 = arith.constant 1 : i32
    %dma_start3A_127 = arith.constant 0 : i32
    %dma_start3A_128 = tpu.memref_slice %arg10[%dma_start3A_126, %dma_start3A_127] : memref<2x200xf32, #tpu.memory_space<vmem>> -> memref<1x96xf32, #tpu.memory_space<vmem>>
    %dma_start3A_129 = tpu.memref_squeeze %dma_start3A_128 : memref<1x96xf32, #tpu.memory_space<vmem>> -> memref<96xf32, #tpu.memory_space<vmem>>
    %dma_start3A_130 = arith.constant 0 : i32
    %dma_start3A_131 = tpu.memref_slice %arg8[%dma_start3A_125, %dma_start3A_130] : memref<2x200xi32, #tpu.memory_space<vmem>> -> memref<1x96xi32, #tpu.memory_space<vmem>>
    %dma_start3A_132 = tpu.memref_squeeze %dma_start3A_131 : memref<1x96xi32, #tpu.memory_space<vmem>> -> memref<96xi32, #tpu.memory_space<vmem>>
    %dma_start3A_133 = arith.constant 0 : i32
    %dma_start3A_134 = tpu.memref_slice %arg5[%dma_start3A_133] : memref<1000000xf32, #tpu.memory_space<hbm>> -> memref<1000000xf32, #tpu.memory_space<hbm>>
    tpu.enqueue_indirect_dma source(%dma_start3A_134 : memref<1000000xf32, #tpu.memory_space<hbm>>) target(%dma_start3A_129 : memref<96xf32, #tpu.memory_space<vmem>>) offsets(%dma_start3A_132 : memref<96xi32, #tpu.memory_space<vmem>>) semaphore(%arg16 : memref<!tpu.dma_semaphore, #tpu.memory_space<semaphore_mem>>)
    %dma_start3A_135 = arith.constant 1 : i32
    %dma_start3A_136 = arith.constant 1 : i32
    %dma_start3A_137 = arith.constant 96 : i32
    %dma_start3A_138 = tpu.memref_slice %arg10[%dma_start3A_136, %dma_start3A_137] : memref<2x200xf32, #tpu.memory_space<vmem>> -> memref<1x104xf32, #tpu.memory_space<vmem>>
    %dma_start3A_139 = tpu.memref_squeeze %dma_start3A_138 : memref<1x104xf32, #tpu.memory_space<vmem>> -> memref<104xf32, #tpu.memory_space<vmem>>
    %dma_start3A_140 = arith.constant 96 : i32
    %dma_start3A_141 = tpu.memref_slice %arg8[%dma_start3A_135, %dma_start3A_140] : memref<2x200xi32, #tpu.memory_space<vmem>> -> memref<1x104xi32, #tpu.memory_space<vmem>>
    %dma_start3A_142 = tpu.memref_squeeze %dma_start3A_141 : memref<1x104xi32, #tpu.memory_space<vmem>> -> memref<104xi32, #tpu.memory_space<vmem>>
    %dma_start3A_143 = arith.constant 0 : i32
    %dma_start3A_144 = tpu.memref_slice %arg5[%dma_start3A_143] : memref<1000000xf32, #tpu.memory_space<hbm>> -> memref<1000000xf32, #tpu.memory_space<hbm>>
    tpu.enqueue_indirect_dma source(%dma_start3A_144 : memref<1000000xf32, #tpu.memory_space<hbm>>) target(%dma_start3A_139 : memref<104xf32, #tpu.memory_space<vmem>>) offsets(%dma_start3A_142 : memref<104xi32, #tpu.memory_space<vmem>>) semaphore(%arg16 : memref<!tpu.dma_semaphore, #tpu.memory_space<semaphore_mem>>)
    %scan3A = arith.constant 0 : i32
    %scan3A_145 = arith.constant 0 : i32
    %scan3A_146 = arith.constant 64 : i32
    %scan3A_147 = arith.addi %scan3A_145, %scan3A_146 : i32
    %scan3A_148 = arith.constant 1 : i32
    %scan3A_149 = scf.for %scan3A_240 = %scan3A_145 to %scan3A_147 step %scan3A_148 iter_args(%scan3A_241 = %scan3A) -> (i32)  : i32 {
      %mul3A_242 = arith.constant 2 : i32
      %mul3A_243 = arith.muli %mul3A_242, %scan3A_240 : i32
      %dma_wait3A_244 = arith.constant 0 : i32
      %dma_wait3A_245 = arith.constant 0 : i32
      %dma_wait3A_246 = arith.constant 0 : i32
      %dma_wait3A_247 = tpu.memref_slice %arg9[%dma_wait3A_245, %dma_wait3A_246] : memref<2x200xf32, #tpu.memory_space<vmem>> -> memref<1x96xf32, #tpu.memory_space<vmem>>
      %dma_wait3A_248 = tpu.memref_squeeze %dma_wait3A_247 : memref<1x96xf32, #tpu.memory_space<vmem>> -> memref<96xf32, #tpu.memory_space<vmem>>
      %dma_wait3A_249 = arith.constant 0 : i32
      %dma_wait3A_250 = tpu.memref_slice %arg8[%dma_wait3A_244, %dma_wait3A_249] : memref<2x200xi32, #tpu.memory_space<vmem>> -> memref<1x96xi32, #tpu.memory_space<vmem>>
      %dma_wait3A_251 = tpu.memref_squeeze %dma_wait3A_250 : memref<1x96xi32, #tpu.memory_space<vmem>> -> memref<96xi32, #tpu.memory_space<vmem>>
      %dma_wait3A_252 = arith.constant 0 : i32
      %dma_wait3A_253 = tpu.memref_slice %arg4[%dma_wait3A_252] : memref<1000000xf32, #tpu.memory_space<hbm>> -> memref<1000000xf32, #tpu.memory_space<hbm>>
      tpu.wait_indirect_dma semaphore(%arg15 : memref<!tpu.dma_semaphore, #tpu.memory_space<semaphore_mem>>) src(%dma_wait3A_253 : memref<1000000xf32, #tpu.memory_space<hbm>>) dst(%dma_wait3A_248 : memref<96xf32, #tpu.memory_space<vmem>>)
      %dma_wait3A_254 = arith.constant 0 : i32
      %dma_wait3A_255 = arith.constant 0 : i32
      %dma_wait3A_256 = arith.constant 96 : i32
      %dma_wait3A_257 = tpu.memref_slice %arg9[%dma_wait3A_255, %dma_wait3A_256] : memref<2x200xf32, #tpu.memory_space<vmem>> -> memref<1x104xf32, #tpu.memory_space<vmem>>
      %dma_wait3A_258 = tpu.memref_squeeze %dma_wait3A_257 : memref<1x104xf32, #tpu.memory_space<vmem>> -> memref<104xf32, #tpu.memory_space<vmem>>
      %dma_wait3A_259 = arith.constant 96 : i32
      %dma_wait3A_260 = tpu.memref_slice %arg8[%dma_wait3A_254, %dma_wait3A_259] : memref<2x200xi32, #tpu.memory_space<vmem>> -> memref<1x104xi32, #tpu.memory_space<vmem>>
      %dma_wait3A_261 = tpu.memref_squeeze %dma_wait3A_260 : memref<1x104xi32, #tpu.memory_space<vmem>> -> memref<104xi32, #tpu.memory_space<vmem>>
      %dma_wait3A_262 = arith.constant 0 : i32
      %dma_wait3A_263 = tpu.memref_slice %arg4[%dma_wait3A_262] : memref<1000000xf32, #tpu.memory_space<hbm>> -> memref<1000000xf32, #tpu.memory_space<hbm>>
      tpu.wait_indirect_dma semaphore(%arg15 : memref<!tpu.dma_semaphore, #tpu.memory_space<semaphore_mem>>) src(%dma_wait3A_263 : memref<1000000xf32, #tpu.memory_space<hbm>>) dst(%dma_wait3A_258 : memref<104xf32, #tpu.memory_space<vmem>>)
      %dma_wait3A_264 = arith.constant 0 : i32
      %dma_wait3A_265 = arith.constant 0 : i32
      %dma_wait3A_266 = arith.constant 0 : i32
      %dma_wait3A_267 = tpu.memref_slice %arg10[%dma_wait3A_265, %dma_wait3A_266] : memref<2x200xf32, #tpu.memory_space<vmem>> -> memref<1x96xf32, #tpu.memory_space<vmem>>
      %dma_wait3A_268 = tpu.memref_squeeze %dma_wait3A_267 : memref<1x96xf32, #tpu.memory_space<vmem>> -> memref<96xf32, #tpu.memory_space<vmem>>
      %dma_wait3A_269 = arith.constant 0 : i32
      %dma_wait3A_270 = tpu.memref_slice %arg8[%dma_wait3A_264, %dma_wait3A_269] : memref<2x200xi32, #tpu.memory_space<vmem>> -> memref<1x96xi32, #tpu.memory_space<vmem>>
      %dma_wait3A_271 = tpu.memref_squeeze %dma_wait3A_270 : memref<1x96xi32, #tpu.memory_space<vmem>> -> memref<96xi32, #tpu.memory_space<vmem>>
      %dma_wait3A_272 = arith.constant 0 : i32
      %dma_wait3A_273 = tpu.memref_slice %arg5[%dma_wait3A_272] : memref<1000000xf32, #tpu.memory_space<hbm>> -> memref<1000000xf32, #tpu.memory_space<hbm>>
      tpu.wait_indirect_dma semaphore(%arg15 : memref<!tpu.dma_semaphore, #tpu.memory_space<semaphore_mem>>) src(%dma_wait3A_273 : memref<1000000xf32, #tpu.memory_space<hbm>>) dst(%dma_wait3A_268 : memref<96xf32, #tpu.memory_space<vmem>>)
      %dma_wait3A_274 = arith.constant 0 : i32
      %dma_wait3A_275 = arith.constant 0 : i32
      %dma_wait3A_276 = arith.constant 96 : i32
      %dma_wait3A_277 = tpu.memref_slice %arg10[%dma_wait3A_275, %dma_wait3A_276] : memref<2x200xf32, #tpu.memory_space<vmem>> -> memref<1x104xf32, #tpu.memory_space<vmem>>
      %dma_wait3A_278 = tpu.memref_squeeze %dma_wait3A_277 : memref<1x104xf32, #tpu.memory_space<vmem>> -> memref<104xf32, #tpu.memory_space<vmem>>
      %dma_wait3A_279 = arith.constant 96 : i32
      %dma_wait3A_280 = tpu.memref_slice %arg8[%dma_wait3A_274, %dma_wait3A_279] : memref<2x200xi32, #tpu.memory_space<vmem>> -> memref<1x104xi32, #tpu.memory_space<vmem>>
      %dma_wait3A_281 = tpu.memref_squeeze %dma_wait3A_280 : memref<1x104xi32, #tpu.memory_space<vmem>> -> memref<104xi32, #tpu.memory_space<vmem>>
      %dma_wait3A_282 = arith.constant 0 : i32
      %dma_wait3A_283 = tpu.memref_slice %arg5[%dma_wait3A_282] : memref<1000000xf32, #tpu.memory_space<hbm>> -> memref<1000000xf32, #tpu.memory_space<hbm>>
      tpu.wait_indirect_dma semaphore(%arg15 : memref<!tpu.dma_semaphore, #tpu.memory_space<semaphore_mem>>) src(%dma_wait3A_283 : memref<1000000xf32, #tpu.memory_space<hbm>>) dst(%dma_wait3A_278 : memref<104xf32, #tpu.memory_space<vmem>>)
      %add3A_284 = arith.constant 2 : i32
      %add3A_285 = arith.addi %mul3A_243, %add3A_284 : i32
      %min3A_286 = arith.constant 127 : i32
      %min3A_287 = arith.minsi %add3A_285, %min3A_286 : i32
      %add3A_288 = arith.addi %mul3A_2, %min3A_287 : i32
      %mul3A_289 = arith.constant 200 : i32
      %mul3A_290 = arith.muli %add3A_288, %mul3A_289 : i32
      %dma_start3A_291 = arith.constant 0 : i32
      %dma_start3A_292 = arith.constant 0 : i32
      %dma_start3A_293 = tpu.memref_slice %arg8[%dma_start3A_291, %dma_start3A_292] : memref<2x200xi32, #tpu.memory_space<vmem>> -> memref<1x200xi32, #tpu.memory_space<vmem>>
      %dma_start3A_294 = tpu.memref_squeeze %dma_start3A_293 : memref<1x200xi32, #tpu.memory_space<vmem>> -> memref<200xi32, #tpu.memory_space<vmem>>
      %dma_start3A_295 = tpu.memref_slice %arg2[%mul3A_290] : memref<819200xi32, #tpu.memory_space<hbm>> -> memref<200xi32, #tpu.memory_space<hbm>>
      %dma_start3A_296 = arith.constant 0 : i32
      %dma_start3A_297 = tpu.memref_slice %arg8[%dma_start3A_291, %dma_start3A_296] : memref<2x200xi32, #tpu.memory_space<vmem>> -> memref<1x200xi32, #tpu.memory_space<vmem>>
      %dma_start3A_298 = tpu.memref_squeeze %dma_start3A_297 : memref<1x200xi32, #tpu.memory_space<vmem>> -> memref<200xi32, #tpu.memory_space<vmem>>
      %dma_start3A_299 = tpu.memref_slice %arg2[%mul3A_290] : memref<819200xi32, #tpu.memory_space<hbm>> -> memref<200xi32, #tpu.memory_space<hbm>>
      tpu.enqueue_dma source(%dma_start3A_299 : memref<200xi32, #tpu.memory_space<hbm>>) target(%dma_start3A_298 : memref<200xi32, #tpu.memory_space<vmem>>) target_semaphore(%arg17 : memref<!tpu.dma_semaphore, #tpu.memory_space<semaphore_mem>>)
      %broadcast_in_dim3A = arith.constant 0.000000e+00 : f32
      %broadcast_in_dim3A_300 = vector.broadcast %broadcast_in_dim3A : f32 to vector<16xf32>
      %scan3A_301 = arith.constant 0 : i32
      %mul3A_302 = arith.constant 16 : i32
      %mul3A_303 = arith.muli %scan3A_301, %mul3A_302 : i32
      %get3A_304 = arith.constant 0 : i32
      %get3A_305 = arith.index_cast %get3A_304 : i32 to index
      %get3A_306 = arith.index_cast %mul3A_303 : i32 to index
      %get3A_307 = tpu.vector_load %arg9[%get3A_305, %get3A_306] {strides = array<i32>} : memref<2x200xf32, #tpu.memory_space<vmem>>, vector<16xf32>,
      %add3A_308 = arith.addf %broadcast_in_dim3A_300, %get3A_307 : vector<16xf32>
      %mul3A_309 = arith.constant 16 : i32
      %mul3A_310 = arith.muli %scan3A_301, %mul3A_309 : i32
      %get3A_311 = arith.constant 0 : i32
      %get3A_312 = arith.index_cast %get3A_311 : i32 to index
      %get3A_313 = arith.index_cast %mul3A_310 : i32 to index
      %get3A_314 = tpu.vector_load %arg10[%get3A_312, %get3A_313] {strides = array<i32>} : memref<2x200xf32, #tpu.memory_space<vmem>>, vector<16xf32>,
      %add3A_315 = arith.addf %broadcast_in_dim3A_300, %get3A_314 : vector<16xf32>
      %scan3A_316 = arith.constant 1 : i32
      %mul3A_317 = arith.constant 16 : i32
      %mul3A_318 = arith.muli %scan3A_316, %mul3A_317 : i32
      %get3A_319 = arith.constant 0 : i32
      %get3A_320 = arith.index_cast %get3A_319 : i32 to index
      %get3A_321 = arith.index_cast %mul3A_318 : i32 to index
      %get3A_322 = tpu.vector_load %arg9[%get3A_320, %get3A_321] {strides = array<i32>} : memref<2x200xf32, #tpu.memory_space<vmem>>, vector<16xf32>,
      %add3A_323 = arith.addf %add3A_308, %get3A_322 : vector<16xf32>
      %mul3A_324 = arith.constant 16 : i32
      %mul3A_325 = arith.muli %scan3A_316, %mul3A_324 : i32
      %get3A_326 = arith.constant 0 : i32
      %get3A_327 = arith.index_cast %get3A_326 : i32 to index
      %get3A_328 = arith.index_cast %mul3A_325 : i32 to index
      %get3A_329 = tpu.vector_load %arg10[%get3A_327, %get3A_328] {strides = array<i32>} : memref<2x200xf32, #tpu.memory_space<vmem>>, vector<16xf32>,
      %add3A_330 = arith.addf %add3A_315, %get3A_329 : vector<16xf32>
      %scan3A_331 = arith.constant 2 : i32
      %mul3A_332 = arith.constant 16 : i32
      %mul3A_333 = arith.muli %scan3A_331, %mul3A_332 : i32
      %get3A_334 = arith.constant 0 : i32
      %get3A_335 = arith.index_cast %get3A_334 : i32 to index
      %get3A_336 = arith.index_cast %mul3A_333 : i32 to index
      %get3A_337 = tpu.vector_load %arg9[%get3A_335, %get3A_336] {strides = array<i32>} : memref<2x200xf32, #tpu.memory_space<vmem>>, vector<16xf32>,
      %add3A_338 = arith.addf %add3A_323, %get3A_337 : vector<16xf32>
      %mul3A_339 = arith.constant 16 : i32
      %mul3A_340 = arith.muli %scan3A_331, %mul3A_339 : i32
      %get3A_341 = arith.constant 0 : i32
      %get3A_342 = arith.index_cast %get3A_341 : i32 to index
      %get3A_343 = arith.index_cast %mul3A_340 : i32 to index
      %get3A_344 = tpu.vector_load %arg10[%get3A_342, %get3A_343] {strides = array<i32>} : memref<2x200xf32, #tpu.memory_space<vmem>>, vector<16xf32>,
      %add3A_345 = arith.addf %add3A_330, %get3A_344 : vector<16xf32>
      %scan3A_346 = arith.constant 3 : i32
      %mul3A_347 = arith.constant 16 : i32
      %mul3A_348 = arith.muli %scan3A_346, %mul3A_347 : i32
      %get3A_349 = arith.constant 0 : i32
      %get3A_350 = arith.index_cast %get3A_349 : i32 to index
      %get3A_351 = arith.index_cast %mul3A_348 : i32 to index
      %get3A_352 = tpu.vector_load %arg9[%get3A_350, %get3A_351] {strides = array<i32>} : memref<2x200xf32, #tpu.memory_space<vmem>>, vector<16xf32>,
      %add3A_353 = arith.addf %add3A_338, %get3A_352 : vector<16xf32>
      %mul3A_354 = arith.constant 16 : i32
      %mul3A_355 = arith.muli %scan3A_346, %mul3A_354 : i32
      %get3A_356 = arith.constant 0 : i32
      %get3A_357 = arith.index_cast %get3A_356 : i32 to index
      %get3A_358 = arith.index_cast %mul3A_355 : i32 to index
      %get3A_359 = tpu.vector_load %arg10[%get3A_357, %get3A_358] {strides = array<i32>} : memref<2x200xf32, #tpu.memory_space<vmem>>, vector<16xf32>,
      %add3A_360 = arith.addf %add3A_345, %get3A_359 : vector<16xf32>
      %scan3A_361 = arith.constant 4 : i32
      %mul3A_362 = arith.constant 16 : i32
      %mul3A_363 = arith.muli %scan3A_361, %mul3A_362 : i32
      %get3A_364 = arith.constant 0 : i32
      %get3A_365 = arith.index_cast %get3A_364 : i32 to index
      %get3A_366 = arith.index_cast %mul3A_363 : i32 to index
      %get3A_367 = tpu.vector_load %arg9[%get3A_365, %get3A_366] {strides = array<i32>} : memref<2x200xf32, #tpu.memory_space<vmem>>, vector<16xf32>,
      %add3A_368 = arith.addf %add3A_353, %get3A_367 : vector<16xf32>
      %mul3A_369 = arith.constant 16 : i32
      %mul3A_370 = arith.muli %scan3A_361, %mul3A_369 : i32
      %get3A_371 = arith.constant 0 : i32
      %get3A_372 = arith.index_cast %get3A_371 : i32 to index
      %get3A_373 = arith.index_cast %mul3A_370 : i32 to index
      %get3A_374 = tpu.vector_load %arg10[%get3A_372, %get3A_373] {strides = array<i32>} : memref<2x200xf32, #tpu.memory_space<vmem>>, vector<16xf32>,
      %add3A_375 = arith.addf %add3A_360, %get3A_374 : vector<16xf32>
      %scan3A_376 = arith.constant 5 : i32
      %mul3A_377 = arith.constant 16 : i32
      %mul3A_378 = arith.muli %scan3A_376, %mul3A_377 : i32
      %get3A_379 = arith.constant 0 : i32
      %get3A_380 = arith.index_cast %get3A_379 : i32 to index
      %get3A_381 = arith.index_cast %mul3A_378 : i32 to index
      %get3A_382 = tpu.vector_load %arg9[%get3A_380, %get3A_381] {strides = array<i32>} : memref<2x200xf32, #tpu.memory_space<vmem>>, vector<16xf32>,
      %add3A_383 = arith.addf %add3A_368, %get3A_382 : vector<16xf32>
      %mul3A_384 = arith.constant 16 : i32
      %mul3A_385 = arith.muli %scan3A_376, %mul3A_384 : i32
      %get3A_386 = arith.constant 0 : i32
      %get3A_387 = arith.index_cast %get3A_386 : i32 to index
      %get3A_388 = arith.index_cast %mul3A_385 : i32 to index
      %get3A_389 = tpu.vector_load %arg10[%get3A_387, %get3A_388] {strides = array<i32>} : memref<2x200xf32, #tpu.memory_space<vmem>>, vector<16xf32>,
      %add3A_390 = arith.addf %add3A_375, %get3A_389 : vector<16xf32>
      %scan3A_391 = arith.constant 6 : i32
      %mul3A_392 = arith.constant 16 : i32
      %mul3A_393 = arith.muli %scan3A_391, %mul3A_392 : i32
      %get3A_394 = arith.constant 0 : i32
      %get3A_395 = arith.index_cast %get3A_394 : i32 to index
      %get3A_396 = arith.index_cast %mul3A_393 : i32 to index
      %get3A_397 = tpu.vector_load %arg9[%get3A_395, %get3A_396] {strides = array<i32>} : memref<2x200xf32, #tpu.memory_space<vmem>>, vector<16xf32>,
      %add3A_398 = arith.addf %add3A_383, %get3A_397 : vector<16xf32>
      %mul3A_399 = arith.constant 16 : i32
      %mul3A_400 = arith.muli %scan3A_391, %mul3A_399 : i32
      %get3A_401 = arith.constant 0 : i32
      %get3A_402 = arith.index_cast %get3A_401 : i32 to index
      %get3A_403 = arith.index_cast %mul3A_400 : i32 to index
      %get3A_404 = tpu.vector_load %arg10[%get3A_402, %get3A_403] {strides = array<i32>} : memref<2x200xf32, #tpu.memory_space<vmem>>, vector<16xf32>,
      %add3A_405 = arith.addf %add3A_390, %get3A_404 : vector<16xf32>
      %scan3A_406 = arith.constant 7 : i32
      %mul3A_407 = arith.constant 16 : i32
      %mul3A_408 = arith.muli %scan3A_406, %mul3A_407 : i32
      %get3A_409 = arith.constant 0 : i32
      %get3A_410 = arith.index_cast %get3A_409 : i32 to index
      %get3A_411 = arith.index_cast %mul3A_408 : i32 to index
      %get3A_412 = tpu.vector_load %arg9[%get3A_410, %get3A_411] {strides = array<i32>} : memref<2x200xf32, #tpu.memory_space<vmem>>, vector<16xf32>,
      %add3A_413 = arith.addf %add3A_398, %get3A_412 : vector<16xf32>
      %mul3A_414 = arith.constant 16 : i32
      %mul3A_415 = arith.muli %scan3A_406, %mul3A_414 : i32
      %get3A_416 = arith.constant 0 : i32
      %get3A_417 = arith.index_cast %get3A_416 : i32 to index
      %get3A_418 = arith.index_cast %mul3A_415 : i32 to index
      %get3A_419 = tpu.vector_load %arg10[%get3A_417, %get3A_418] {strides = array<i32>} : memref<2x200xf32, #tpu.memory_space<vmem>>, vector<16xf32>,
      %add3A_420 = arith.addf %add3A_405, %get3A_419 : vector<16xf32>
      %scan3A_421 = arith.constant 8 : i32
      %mul3A_422 = arith.constant 16 : i32
      %mul3A_423 = arith.muli %scan3A_421, %mul3A_422 : i32
      %get3A_424 = arith.constant 0 : i32
      %get3A_425 = arith.index_cast %get3A_424 : i32 to index
      %get3A_426 = arith.index_cast %mul3A_423 : i32 to index
      %get3A_427 = tpu.vector_load %arg9[%get3A_425, %get3A_426] {strides = array<i32>} : memref<2x200xf32, #tpu.memory_space<vmem>>, vector<16xf32>,
      %add3A_428 = arith.addf %add3A_413, %get3A_427 : vector<16xf32>
      %mul3A_429 = arith.constant 16 : i32
      %mul3A_430 = arith.muli %scan3A_421, %mul3A_429 : i32
      %get3A_431 = arith.constant 0 : i32
      %get3A_432 = arith.index_cast %get3A_431 : i32 to index
      %get3A_433 = arith.index_cast %mul3A_430 : i32 to index
      %get3A_434 = tpu.vector_load %arg10[%get3A_432, %get3A_433] {strides = array<i32>} : memref<2x200xf32, #tpu.memory_space<vmem>>, vector<16xf32>,
      %add3A_435 = arith.addf %add3A_420, %get3A_434 : vector<16xf32>
      %scan3A_436 = arith.constant 9 : i32
      %mul3A_437 = arith.constant 16 : i32
      %mul3A_438 = arith.muli %scan3A_436, %mul3A_437 : i32
      %get3A_439 = arith.constant 0 : i32
      %get3A_440 = arith.index_cast %get3A_439 : i32 to index
      %get3A_441 = arith.index_cast %mul3A_438 : i32 to index
      %get3A_442 = tpu.vector_load %arg9[%get3A_440, %get3A_441] {strides = array<i32>} : memref<2x200xf32, #tpu.memory_space<vmem>>, vector<16xf32>,
      %add3A_443 = arith.addf %add3A_428, %get3A_442 : vector<16xf32>
      %mul3A_444 = arith.constant 16 : i32
      %mul3A_445 = arith.muli %scan3A_436, %mul3A_444 : i32
      %get3A_446 = arith.constant 0 : i32
      %get3A_447 = arith.index_cast %get3A_446 : i32 to index
      %get3A_448 = arith.index_cast %mul3A_445 : i32 to index
      %get3A_449 = tpu.vector_load %arg10[%get3A_447, %get3A_448] {strides = array<i32>} : memref<2x200xf32, #tpu.memory_space<vmem>>, vector<16xf32>,
      %add3A_450 = arith.addf %add3A_435, %get3A_449 : vector<16xf32>
      %scan3A_451 = arith.constant 10 : i32
      %mul3A_452 = arith.constant 16 : i32
      %mul3A_453 = arith.muli %scan3A_451, %mul3A_452 : i32
      %get3A_454 = arith.constant 0 : i32
      %get3A_455 = arith.index_cast %get3A_454 : i32 to index
      %get3A_456 = arith.index_cast %mul3A_453 : i32 to index
      %get3A_457 = tpu.vector_load %arg9[%get3A_455, %get3A_456] {strides = array<i32>} : memref<2x200xf32, #tpu.memory_space<vmem>>, vector<16xf32>,
      %add3A_458 = arith.addf %add3A_443, %get3A_457 : vector<16xf32>
      %mul3A_459 = arith.constant 16 : i32
      %mul3A_460 = arith.muli %scan3A_451, %mul3A_459 : i32
      %get3A_461 = arith.constant 0 : i32
      %get3A_462 = arith.index_cast %get3A_461 : i32 to index
      %get3A_463 = arith.index_cast %mul3A_460 : i32 to index
      %get3A_464 = tpu.vector_load %arg10[%get3A_462, %get3A_463] {strides = array<i32>} : memref<2x200xf32, #tpu.memory_space<vmem>>, vector<16xf32>,
      %add3A_465 = arith.addf %add3A_450, %get3A_464 : vector<16xf32>
      %scan3A_466 = arith.constant 11 : i32
      %mul3A_467 = arith.constant 16 : i32
      %mul3A_468 = arith.muli %scan3A_466, %mul3A_467 : i32
      %get3A_469 = arith.constant 0 : i32
      %get3A_470 = arith.index_cast %get3A_469 : i32 to index
      %get3A_471 = arith.index_cast %mul3A_468 : i32 to index
      %get3A_472 = tpu.vector_load %arg9[%get3A_470, %get3A_471] {strides = array<i32>} : memref<2x200xf32, #tpu.memory_space<vmem>>, vector<16xf32>,
      %add3A_473 = arith.addf %add3A_458, %get3A_472 : vector<16xf32>
      %mul3A_474 = arith.constant 16 : i32
      %mul3A_475 = arith.muli %scan3A_466, %mul3A_474 : i32
      %get3A_476 = arith.constant 0 : i32
      %get3A_477 = arith.index_cast %get3A_476 : i32 to index
      %get3A_478 = arith.index_cast %mul3A_475 : i32 to index
      %get3A_479 = tpu.vector_load %arg10[%get3A_477, %get3A_478] {strides = array<i32>} : memref<2x200xf32, #tpu.memory_space<vmem>>, vector<16xf32>,
      %add3A_480 = arith.addf %add3A_465, %get3A_479 : vector<16xf32>
      %scan3A_481 = arith.constant 12 : i32
      %get3A_482 = arith.constant 0 : i32
      %get3A_483 = arith.index_cast %get3A_482 : i32 to index
      %get3A_484 = arith.constant 184 : index
      %get3A_485 = tpu.vector_load %arg9[%get3A_483, %get3A_484] {strides = array<i32>} : memref<2x200xf32, #tpu.memory_space<vmem>>, vector<16xf32>,
      %get3A_486 = arith.constant 0 : i32
      %get3A_487 = arith.index_cast %get3A_486 : i32 to index
      %get3A_488 = arith.constant 184 : index
      %get3A_489 = tpu.vector_load %arg10[%get3A_487, %get3A_488] {strides = array<i32>} : memref<2x200xf32, #tpu.memory_space<vmem>>, vector<16xf32>,
      %jit3A = arith.constant 0.000000e+00 : f32
      %broadcast_in_dim3A_490 = vector.broadcast %jit3A : f32 to vector<16xf32>
      %select_n3A = arith.select %ge3A_7, %get3A_485, %broadcast_in_dim3A_490 : vector<16xi1>, vector<16xf32>
      %add3A_491 = arith.addf %add3A_473, %select_n3A : vector<16xf32>
      %jit3A_492 = arith.constant 0.000000e+00 : f32
      %broadcast_in_dim3A_493 = vector.broadcast %jit3A_492 : f32 to vector<16xf32>
      %select_n3A_494 = arith.select %ge3A_7, %get3A_489, %broadcast_in_dim3A_493 : vector<16xi1>, vector<16xf32>
      %add3A_495 = arith.addf %add3A_480, %select_n3A_494 : vector<16xf32>
      %get3A_496 = arith.index_cast %mul3A_243 : i32 to index
      %get3A_497 = tpu.vector_load %arg11[%get3A_496] {strides = array<i32>} : memref<144xf32, #tpu.memory_space<vmem>>, vector<16xf32>,
      %div3A = arith.constant 1.000000e+00 : f32
      %div3A_498 = vector.broadcast %div3A : f32 to vector<16xf32>
      %div3A_499 = arith.divf %div3A_498, %get3A_497 : vector<16xf32>
      %slice3A_500 = vector.extract_strided_slice %div3A_499 {offsets = [0], sizes = [1], strides = [1]} : vector<16xf32> to vector<1xf32>
      %squeeze3A_501 = vector.extract %slice3A_500[0] : f32 from vector<1xf32>
      %reduce_sum3A = arith.constant true
      %reduce_sum3A_502 = vector.broadcast %reduce_sum3A : i1 to vector<16xi1>
      %reduce_sum3A_503 = tpu.scan <sum>, %add3A_491 masked %reduce_sum3A_502 : vector<16xf32>, vector<16xi1> -> vector<16xf32>
      %reduce_sum3A_504 = vector.extract %reduce_sum3A_503[15] : f32 from vector<16xf32>
      %mul3A_505 = arith.mulf %reduce_sum3A_504, %squeeze3A_501 : f32
      %add3A_506 = arith.addf %mul3A_505, %squeeze3A : f32
      %reduce_sum3A_507 = arith.constant true
      %reduce_sum3A_508 = vector.broadcast %reduce_sum3A_507 : i1 to vector<16xi1>
      %reduce_sum3A_509 = tpu.scan <sum>, %add3A_495 masked %reduce_sum3A_508 : vector<16xf32>, vector<16xi1> -> vector<16xf32>
      %reduce_sum3A_510 = vector.extract %reduce_sum3A_509[15] : f32 from vector<16xf32>
      %mul3A_511 = arith.mulf %reduce_sum3A_510, %squeeze3A_501 : f32
      %add3A_512 = arith.addf %mul3A_511, %squeeze3A_5 : f32
      %eq3A = arith.constant 0 : i32
      %eq3A_513 = vector.broadcast %eq3A : i32 to vector<16xi32>
      %eq3A_514 = arith.cmpi eq, %iota3A, %eq3A_513 : vector<16xi32>
      %broadcast_in_dim3A_515 = vector.broadcast %add3A_506 : f32 to vector<16xf32>
      %broadcast_in_dim3A_516 = vector.broadcast %add3A_512 : f32 to vector<16xf32>
      %select_n3A_517 = arith.select %eq3A_514, %broadcast_in_dim3A_515, %broadcast_in_dim3A_516 : vector<16xi1>, vector<16xf32>
      %neg3A = arith.constant 0.000000e+00 : f32
      %neg3A_518 = vector.broadcast %neg3A : f32 to vector<16xf32>
      %neg3A_519 = arith.subf %neg3A_518, %select_n3A_517 : vector<16xf32>
      %exp3A = math.exp %neg3A_519 : vector<16xf32>
      %add3A_520 = arith.constant 1.000000e+00 : f32
      %add3A_521 = vector.broadcast %add3A_520 : f32 to vector<16xf32>
      %add3A_522 = arith.addf %add3A_521, %exp3A : vector<16xf32>
      %div3A_523 = arith.constant 1.000000e+00 : f32
      %div3A_524 = vector.broadcast %div3A_523 : f32 to vector<16xf32>
      %div3A_525 = arith.divf %div3A_524, %add3A_522 : vector<16xf32>
      %mul3A_526 = arith.constant 16 : i32
      %mul3A_527 = arith.muli %mul3A_243, %mul3A_526 : i32
      %swap3A = arith.index_cast %mul3A_527 : i32 to index
      %swap3A_528 = tpu.vector_load %arg13[%swap3A] {strides = array<i32>} : memref<2048xf32, #tpu.memory_space<vmem>>, vector<16xf32>,
      tpu.vector_store %arg13[%swap3A], %div3A_525 {strides = array<i32>} : memref<2048xf32, #tpu.memory_space<vmem>>, vector<16xf32>,
      %dma_wait3A_529 = arith.constant 1 : i32
      %dma_wait3A_530 = arith.constant 1 : i32
      %dma_wait3A_531 = arith.constant 0 : i32
      %dma_wait3A_532 = tpu.memref_slice %arg9[%dma_wait3A_530, %dma_wait3A_531] : memref<2x200xf32, #tpu.memory_space<vmem>> -> memref<1x96xf32, #tpu.memory_space<vmem>>
      %dma_wait3A_533 = tpu.memref_squeeze %dma_wait3A_532 : memref<1x96xf32, #tpu.memory_space<vmem>> -> memref<96xf32, #tpu.memory_space<vmem>>
      %dma_wait3A_534 = arith.constant 0 : i32
      %dma_wait3A_535 = tpu.memref_slice %arg8[%dma_wait3A_529, %dma_wait3A_534] : memref<2x200xi32, #tpu.memory_space<vmem>> -> memref<1x96xi32, #tpu.memory_space<vmem>>
      %dma_wait3A_536 = tpu.memref_squeeze %dma_wait3A_535 : memref<1x96xi32, #tpu.memory_space<vmem>> -> memref<96xi32, #tpu.memory_space<vmem>>
      %dma_wait3A_537 = arith.constant 0 : i32
      %dma_wait3A_538 = tpu.memref_slice %arg4[%dma_wait3A_537] : memref<1000000xf32, #tpu.memory_space<hbm>> -> memref<1000000xf32, #tpu.memory_space<hbm>>
      tpu.wait_indirect_dma semaphore(%arg16 : memref<!tpu.dma_semaphore, #tpu.memory_space<semaphore_mem>>) src(%dma_wait3A_538 : memref<1000000xf32, #tpu.memory_space<hbm>>) dst(%dma_wait3A_533 : memref<96xf32, #tpu.memory_space<vmem>>)
      %dma_wait3A_539 = arith.constant 1 : i32
      %dma_wait3A_540 = arith.constant 1 : i32
      %dma_wait3A_541 = arith.constant 96 : i32
      %dma_wait3A_542 = tpu.memref_slice %arg9[%dma_wait3A_540, %dma_wait3A_541] : memref<2x200xf32, #tpu.memory_space<vmem>> -> memref<1x104xf32, #tpu.memory_space<vmem>>
      %dma_wait3A_543 = tpu.memref_squeeze %dma_wait3A_542 : memref<1x104xf32, #tpu.memory_space<vmem>> -> memref<104xf32, #tpu.memory_space<vmem>>
      %dma_wait3A_544 = arith.constant 96 : i32
      %dma_wait3A_545 = tpu.memref_slice %arg8[%dma_wait3A_539, %dma_wait3A_544] : memref<2x200xi32, #tpu.memory_space<vmem>> -> memref<1x104xi32, #tpu.memory_space<vmem>>
      %dma_wait3A_546 = tpu.memref_squeeze %dma_wait3A_545 : memref<1x104xi32, #tpu.memory_space<vmem>> -> memref<104xi32, #tpu.memory_space<vmem>>
      %dma_wait3A_547 = arith.constant 0 : i32
      %dma_wait3A_548 = tpu.memref_slice %arg4[%dma_wait3A_547] : memref<1000000xf32, #tpu.memory_space<hbm>> -> memref<1000000xf32, #tpu.memory_space<hbm>>
      tpu.wait_indirect_dma semaphore(%arg16 : memref<!tpu.dma_semaphore, #tpu.memory_space<semaphore_mem>>) src(%dma_wait3A_548 : memref<1000000xf32, #tpu.memory_space<hbm>>) dst(%dma_wait3A_543 : memref<104xf32, #tpu.memory_space<vmem>>)
      %dma_wait3A_549 = arith.constant 1 : i32
      %dma_wait3A_550 = arith.constant 1 : i32
      %dma_wait3A_551 = arith.constant 0 : i32
      %dma_wait3A_552 = tpu.memref_slice %arg10[%dma_wait3A_550, %dma_wait3A_551] : memref<2x200xf32, #tpu.memory_space<vmem>> -> memref<1x96xf32, #tpu.memory_space<vmem>>
      %dma_wait3A_553 = tpu.memref_squeeze %dma_wait3A_552 : memref<1x96xf32, #tpu.memory_space<vmem>> -> memref<96xf32, #tpu.memory_space<vmem>>
      %dma_wait3A_554 = arith.constant 0 : i32
      %dma_wait3A_555 = tpu.memref_slice %arg8[%dma_wait3A_549, %dma_wait3A_554] : memref<2x200xi32, #tpu.memory_space<vmem>> -> memref<1x96xi32, #tpu.memory_space<vmem>>
      %dma_wait3A_556 = tpu.memref_squeeze %dma_wait3A_555 : memref<1x96xi32, #tpu.memory_space<vmem>> -> memref<96xi32, #tpu.memory_space<vmem>>
      %dma_wait3A_557 = arith.constant 0 : i32
      %dma_wait3A_558 = tpu.memref_slice %arg5[%dma_wait3A_557] : memref<1000000xf32, #tpu.memory_space<hbm>> -> memref<1000000xf32, #tpu.memory_space<hbm>>
      tpu.wait_indirect_dma semaphore(%arg16 : memref<!tpu.dma_semaphore, #tpu.memory_space<semaphore_mem>>) src(%dma_wait3A_558 : memref<1000000xf32, #tpu.memory_space<hbm>>) dst(%dma_wait3A_553 : memref<96xf32, #tpu.memory_space<vmem>>)
      %dma_wait3A_559 = arith.constant 1 : i32
      %dma_wait3A_560 = arith.constant 1 : i32
      %dma_wait3A_561 = arith.constant 96 : i32
      %dma_wait3A_562 = tpu.memref_slice %arg10[%dma_wait3A_560, %dma_wait3A_561] : memref<2x200xf32, #tpu.memory_space<vmem>> -> memref<1x104xf32, #tpu.memory_space<vmem>>
      %dma_wait3A_563 = tpu.memref_squeeze %dma_wait3A_562 : memref<1x104xf32, #tpu.memory_space<vmem>> -> memref<104xf32, #tpu.memory_space<vmem>>
      %dma_wait3A_564 = arith.constant 96 : i32
      %dma_wait3A_565 = tpu.memref_slice %arg8[%dma_wait3A_559, %dma_wait3A_564] : memref<2x200xi32, #tpu.memory_space<vmem>> -> memref<1x104xi32, #tpu.memory_space<vmem>>
      %dma_wait3A_566 = tpu.memref_squeeze %dma_wait3A_565 : memref<1x104xi32, #tpu.memory_space<vmem>> -> memref<104xi32, #tpu.memory_space<vmem>>
      %dma_wait3A_567 = arith.constant 0 : i32
      %dma_wait3A_568 = tpu.memref_slice %arg5[%dma_wait3A_567] : memref<1000000xf32, #tpu.memory_space<hbm>> -> memref<1000000xf32, #tpu.memory_space<hbm>>
      tpu.wait_indirect_dma semaphore(%arg16 : memref<!tpu.dma_semaphore, #tpu.memory_space<semaphore_mem>>) src(%dma_wait3A_568 : memref<1000000xf32, #tpu.memory_space<hbm>>) dst(%dma_wait3A_563 : memref<104xf32, #tpu.memory_space<vmem>>)
      %add3A_569 = arith.constant 3 : i32
      %add3A_570 = arith.addi %mul3A_243, %add3A_569 : i32
      %min3A_571 = arith.constant 127 : i32
      %min3A_572 = arith.minsi %add3A_570, %min3A_571 : i32
      %add3A_573 = arith.addi %mul3A_2, %min3A_572 : i32
      %mul3A_574 = arith.constant 200 : i32
      %mul3A_575 = arith.muli %add3A_573, %mul3A_574 : i32
      %dma_start3A_576 = arith.constant 1 : i32
      %dma_start3A_577 = arith.constant 0 : i32
      %dma_start3A_578 = tpu.memref_slice %arg8[%dma_start3A_576, %dma_start3A_577] : memref<2x200xi32, #tpu.memory_space<vmem>> -> memref<1x200xi32, #tpu.memory_space<vmem>>
      %dma_start3A_579 = tpu.memref_squeeze %dma_start3A_578 : memref<1x200xi32, #tpu.memory_space<vmem>> -> memref<200xi32, #tpu.memory_space<vmem>>
      %dma_start3A_580 = tpu.memref_slice %arg2[%mul3A_575] : memref<819200xi32, #tpu.memory_space<hbm>> -> memref<200xi32, #tpu.memory_space<hbm>>
      %dma_start3A_581 = arith.constant 0 : i32
      %dma_start3A_582 = tpu.memref_slice %arg8[%dma_start3A_576, %dma_start3A_581] : memref<2x200xi32, #tpu.memory_space<vmem>> -> memref<1x200xi32, #tpu.memory_space<vmem>>
      %dma_start3A_583 = tpu.memref_squeeze %dma_start3A_582 : memref<1x200xi32, #tpu.memory_space<vmem>> -> memref<200xi32, #tpu.memory_space<vmem>>
      %dma_start3A_584 = tpu.memref_slice %arg2[%mul3A_575] : memref<819200xi32, #tpu.memory_space<hbm>> -> memref<200xi32, #tpu.memory_space<hbm>>
      tpu.enqueue_dma source(%dma_start3A_584 : memref<200xi32, #tpu.memory_space<hbm>>) target(%dma_start3A_583 : memref<200xi32, #tpu.memory_space<vmem>>) target_semaphore(%arg18 : memref<!tpu.dma_semaphore, #tpu.memory_space<semaphore_mem>>)
      %add3A_585 = arith.constant 2 : i32
      %add3A_586 = arith.addi %mul3A_243, %add3A_585 : i32
      %min3A_587 = arith.constant 127 : i32
      %min3A_588 = arith.minsi %add3A_586, %min3A_587 : i32
      %add3A_589 = arith.addi %mul3A_2, %min3A_588 : i32
      %mul3A_590 = arith.constant 200 : i32
      %mul3A_591 = arith.muli %add3A_589, %mul3A_590 : i32
      %dma_wait3A_592 = arith.constant 0 : i32
      %dma_wait3A_593 = arith.constant 0 : i32
      %dma_wait3A_594 = tpu.memref_slice %arg8[%dma_wait3A_592, %dma_wait3A_593] : memref<2x200xi32, #tpu.memory_space<vmem>> -> memref<1x200xi32, #tpu.memory_space<vmem>>
      %dma_wait3A_595 = tpu.memref_squeeze %dma_wait3A_594 : memref<1x200xi32, #tpu.memory_space<vmem>> -> memref<200xi32, #tpu.memory_space<vmem>>
      %dma_wait3A_596 = tpu.memref_slice %arg2[%mul3A_591] : memref<819200xi32, #tpu.memory_space<hbm>> -> memref<200xi32, #tpu.memory_space<hbm>>
      %dma_wait3A_597 = arith.constant 0 : i32
      %dma_wait3A_598 = tpu.memref_slice %arg8[%dma_wait3A_592, %dma_wait3A_597] : memref<2x200xi32, #tpu.memory_space<vmem>> -> memref<1x200xi32, #tpu.memory_space<vmem>>
      %dma_wait3A_599 = tpu.memref_squeeze %dma_wait3A_598 : memref<1x200xi32, #tpu.memory_space<vmem>> -> memref<200xi32, #tpu.memory_space<vmem>>
      %dma_wait3A_600 = tpu.memref_slice %arg2[%mul3A_591] : memref<819200xi32, #tpu.memory_space<hbm>> -> memref<200xi32, #tpu.memory_space<hbm>>
      tpu.wait_dma2 semaphore(%arg17 : memref<!tpu.dma_semaphore, #tpu.memory_space<semaphore_mem>>) src(%dma_wait3A_600 : memref<200xi32, #tpu.memory_space<hbm>>) dst(%dma_wait3A_599 : memref<200xi32, #tpu.memory_space<vmem>>)
      %dma_start3A_601 = arith.constant 0 : i32
      %dma_start3A_602 = arith.constant 0 : i32
      %dma_start3A_603 = arith.constant 0 : i32
      %dma_start3A_604 = tpu.memref_slice %arg9[%dma_start3A_602, %dma_start3A_603] : memref<2x200xf32, #tpu.memory_space<vmem>> -> memref<1x96xf32, #tpu.memory_space<vmem>>
      %dma_start3A_605 = tpu.memref_squeeze %dma_start3A_604 : memref<1x96xf32, #tpu.memory_space<vmem>> -> memref<96xf32, #tpu.memory_space<vmem>>
      %dma_start3A_606 = arith.constant 0 : i32
      %dma_start3A_607 = tpu.memref_slice %arg8[%dma_start3A_601, %dma_start3A_606] : memref<2x200xi32, #tpu.memory_space<vmem>> -> memref<1x96xi32, #tpu.memory_space<vmem>>
      %dma_start3A_608 = tpu.memref_squeeze %dma_start3A_607 : memref<1x96xi32, #tpu.memory_space<vmem>> -> memref<96xi32, #tpu.memory_space<vmem>>
      %dma_start3A_609 = arith.constant 0 : i32
      %dma_start3A_610 = tpu.memref_slice %arg4[%dma_start3A_609] : memref<1000000xf32, #tpu.memory_space<hbm>> -> memref<1000000xf32, #tpu.memory_space<hbm>>
      tpu.enqueue_indirect_dma source(%dma_start3A_610 : memref<1000000xf32, #tpu.memory_space<hbm>>) target(%dma_start3A_605 : memref<96xf32, #tpu.memory_space<vmem>>) offsets(%dma_start3A_608 : memref<96xi32, #tpu.memory_space<vmem>>) semaphore(%arg15 : memref<!tpu.dma_semaphore, #tpu.memory_space<semaphore_mem>>)
      %dma_start3A_611 = arith.constant 0 : i32
      %dma_start3A_612 = arith.constant 0 : i32
      %dma_start3A_613 = arith.constant 96 : i32
      %dma_start3A_614 = tpu.memref_slice %arg9[%dma_start3A_612, %dma_start3A_613] : memref<2x200xf32, #tpu.memory_space<vmem>> -> memref<1x104xf32, #tpu.memory_space<vmem>>
      %dma_start3A_615 = tpu.memref_squeeze %dma_start3A_614 : memref<1x104xf32, #tpu.memory_space<vmem>> -> memref<104xf32, #tpu.memory_space<vmem>>
      %dma_start3A_616 = arith.constant 96 : i32
      %dma_start3A_617 = tpu.memref_slice %arg8[%dma_start3A_611, %dma_start3A_616] : memref<2x200xi32, #tpu.memory_space<vmem>> -> memref<1x104xi32, #tpu.memory_space<vmem>>
      %dma_start3A_618 = tpu.memref_squeeze %dma_start3A_617 : memref<1x104xi32, #tpu.memory_space<vmem>> -> memref<104xi32, #tpu.memory_space<vmem>>
      %dma_start3A_619 = arith.constant 0 : i32
      %dma_start3A_620 = tpu.memref_slice %arg4[%dma_start3A_619] : memref<1000000xf32, #tpu.memory_space<hbm>> -> memref<1000000xf32, #tpu.memory_space<hbm>>
      tpu.enqueue_indirect_dma source(%dma_start3A_620 : memref<1000000xf32, #tpu.memory_space<hbm>>) target(%dma_start3A_615 : memref<104xf32, #tpu.memory_space<vmem>>) offsets(%dma_start3A_618 : memref<104xi32, #tpu.memory_space<vmem>>) semaphore(%arg15 : memref<!tpu.dma_semaphore, #tpu.memory_space<semaphore_mem>>)
      %dma_start3A_621 = arith.constant 0 : i32
      %dma_start3A_622 = arith.constant 0 : i32
      %dma_start3A_623 = arith.constant 0 : i32
      %dma_start3A_624 = tpu.memref_slice %arg10[%dma_start3A_622, %dma_start3A_623] : memref<2x200xf32, #tpu.memory_space<vmem>> -> memref<1x96xf32, #tpu.memory_space<vmem>>
      %dma_start3A_625 = tpu.memref_squeeze %dma_start3A_624 : memref<1x96xf32, #tpu.memory_space<vmem>> -> memref<96xf32, #tpu.memory_space<vmem>>
      %dma_start3A_626 = arith.constant 0 : i32
      %dma_start3A_627 = tpu.memref_slice %arg8[%dma_start3A_621, %dma_start3A_626] : memref<2x200xi32, #tpu.memory_space<vmem>> -> memref<1x96xi32, #tpu.memory_space<vmem>>
      %dma_start3A_628 = tpu.memref_squeeze %dma_start3A_627 : memref<1x96xi32, #tpu.memory_space<vmem>> -> memref<96xi32, #tpu.memory_space<vmem>>
      %dma_start3A_629 = arith.constant 0 : i32
      %dma_start3A_630 = tpu.memref_slice %arg5[%dma_start3A_629] : memref<1000000xf32, #tpu.memory_space<hbm>> -> memref<1000000xf32, #tpu.memory_space<hbm>>
      tpu.enqueue_indirect_dma source(%dma_start3A_630 : memref<1000000xf32, #tpu.memory_space<hbm>>) target(%dma_start3A_625 : memref<96xf32, #tpu.memory_space<vmem>>) offsets(%dma_start3A_628 : memref<96xi32, #tpu.memory_space<vmem>>) semaphore(%arg15 : memref<!tpu.dma_semaphore, #tpu.memory_space<semaphore_mem>>)
      %dma_start3A_631 = arith.constant 0 : i32
      %dma_start3A_632 = arith.constant 0 : i32
      %dma_start3A_633 = arith.constant 96 : i32
      %dma_start3A_634 = tpu.memref_slice %arg10[%dma_start3A_632, %dma_start3A_633] : memref<2x200xf32, #tpu.memory_space<vmem>> -> memref<1x104xf32, #tpu.memory_space<vmem>>
      %dma_start3A_635 = tpu.memref_squeeze %dma_start3A_634 : memref<1x104xf32, #tpu.memory_space<vmem>> -> memref<104xf32, #tpu.memory_space<vmem>>
      %dma_start3A_636 = arith.constant 96 : i32
      %dma_start3A_637 = tpu.memref_slice %arg8[%dma_start3A_631, %dma_start3A_636] : memref<2x200xi32, #tpu.memory_space<vmem>> -> memref<1x104xi32, #tpu.memory_space<vmem>>
      %dma_start3A_638 = tpu.memref_squeeze %dma_start3A_637 : memref<1x104xi32, #tpu.memory_space<vmem>> -> memref<104xi32, #tpu.memory_space<vmem>>
      %dma_start3A_639 = arith.constant 0 : i32
      %dma_start3A_640 = tpu.memref_slice %arg5[%dma_start3A_639] : memref<1000000xf32, #tpu.memory_space<hbm>> -> memref<1000000xf32, #tpu.memory_space<hbm>>
      tpu.enqueue_indirect_dma source(%dma_start3A_640 : memref<1000000xf32, #tpu.memory_space<hbm>>) target(%dma_start3A_635 : memref<104xf32, #tpu.memory_space<vmem>>) offsets(%dma_start3A_638 : memref<104xi32, #tpu.memory_space<vmem>>) semaphore(%arg15 : memref<!tpu.dma_semaphore, #tpu.memory_space<semaphore_mem>>)
      %add3A_641 = arith.constant 1 : i32
      %add3A_642 = arith.addi %mul3A_243, %add3A_641 : i32
      %broadcast_in_dim3A_643 = arith.constant 0.000000e+00 : f32
      %broadcast_in_dim3A_644 = vector.broadcast %broadcast_in_dim3A_643 : f32 to vector<16xf32>
      %scan3A_645 = arith.constant 0 : i32
      %mul3A_646 = arith.constant 16 : i32
      %mul3A_647 = arith.muli %scan3A_645, %mul3A_646 : i32
      %get3A_648 = arith.constant 1 : i32
      %get3A_649 = arith.index_cast %get3A_648 : i32 to index
      %get3A_650 = arith.index_cast %mul3A_647 : i32 to index
      %get3A_651 = tpu.vector_load %arg9[%get3A_649, %get3A_650] {strides = array<i32>} : memref<2x200xf32, #tpu.memory_space<vmem>>, vector<16xf32>,
      %add3A_652 = arith.addf %broadcast_in_dim3A_644, %get3A_651 : vector<16xf32>
      %mul3A_653 = arith.constant 16 : i32
      %mul3A_654 = arith.muli %scan3A_645, %mul3A_653 : i32
      %get3A_655 = arith.constant 1 : i32
      %get3A_656 = arith.index_cast %get3A_655 : i32 to index
      %get3A_657 = arith.index_cast %mul3A_654 : i32 to index
      %get3A_658 = tpu.vector_load %arg10[%get3A_656, %get3A_657] {strides = array<i32>} : memref<2x200xf32, #tpu.memory_space<vmem>>, vector<16xf32>,
      %add3A_659 = arith.addf %broadcast_in_dim3A_644, %get3A_658 : vector<16xf32>
      %scan3A_660 = arith.constant 1 : i32
      %mul3A_661 = arith.constant 16 : i32
      %mul3A_662 = arith.muli %scan3A_660, %mul3A_661 : i32
      %get3A_663 = arith.constant 1 : i32
      %get3A_664 = arith.index_cast %get3A_663 : i32 to index
      %get3A_665 = arith.index_cast %mul3A_662 : i32 to index
      %get3A_666 = tpu.vector_load %arg9[%get3A_664, %get3A_665] {strides = array<i32>} : memref<2x200xf32, #tpu.memory_space<vmem>>, vector<16xf32>,
      %add3A_667 = arith.addf %add3A_652, %get3A_666 : vector<16xf32>
      %mul3A_668 = arith.constant 16 : i32
      %mul3A_669 = arith.muli %scan3A_660, %mul3A_668 : i32
      %get3A_670 = arith.constant 1 : i32
      %get3A_671 = arith.index_cast %get3A_670 : i32 to index
      %get3A_672 = arith.index_cast %mul3A_669 : i32 to index
      %get3A_673 = tpu.vector_load %arg10[%get3A_671, %get3A_672] {strides = array<i32>} : memref<2x200xf32, #tpu.memory_space<vmem>>, vector<16xf32>,
      %add3A_674 = arith.addf %add3A_659, %get3A_673 : vector<16xf32>
      %scan3A_675 = arith.constant 2 : i32
      %mul3A_676 = arith.constant 16 : i32
      %mul3A_677 = arith.muli %scan3A_675, %mul3A_676 : i32
      %get3A_678 = arith.constant 1 : i32
      %get3A_679 = arith.index_cast %get3A_678 : i32 to index
      %get3A_680 = arith.index_cast %mul3A_677 : i32 to index
      %get3A_681 = tpu.vector_load %arg9[%get3A_679, %get3A_680] {strides = array<i32>} : memref<2x200xf32, #tpu.memory_space<vmem>>, vector<16xf32>,
      %add3A_682 = arith.addf %add3A_667, %get3A_681 : vector<16xf32>
      %mul3A_683 = arith.constant 16 : i32
      %mul3A_684 = arith.muli %scan3A_675, %mul3A_683 : i32
      %get3A_685 = arith.constant 1 : i32
      %get3A_686 = arith.index_cast %get3A_685 : i32 to index
      %get3A_687 = arith.index_cast %mul3A_684 : i32 to index
      %get3A_688 = tpu.vector_load %arg10[%get3A_686, %get3A_687] {strides = array<i32>} : memref<2x200xf32, #tpu.memory_space<vmem>>, vector<16xf32>,
      %add3A_689 = arith.addf %add3A_674, %get3A_688 : vector<16xf32>
      %scan3A_690 = arith.constant 3 : i32
      %mul3A_691 = arith.constant 16 : i32
      %mul3A_692 = arith.muli %scan3A_690, %mul3A_691 : i32
      %get3A_693 = arith.constant 1 : i32
      %get3A_694 = arith.index_cast %get3A_693 : i32 to index
      %get3A_695 = arith.index_cast %mul3A_692 : i32 to index
      %get3A_696 = tpu.vector_load %arg9[%get3A_694, %get3A_695] {strides = array<i32>} : memref<2x200xf32, #tpu.memory_space<vmem>>, vector<16xf32>,
      %add3A_697 = arith.addf %add3A_682, %get3A_696 : vector<16xf32>
      %mul3A_698 = arith.constant 16 : i32
      %mul3A_699 = arith.muli %scan3A_690, %mul3A_698 : i32
      %get3A_700 = arith.constant 1 : i32
      %get3A_701 = arith.index_cast %get3A_700 : i32 to index
      %get3A_702 = arith.index_cast %mul3A_699 : i32 to index
      %get3A_703 = tpu.vector_load %arg10[%get3A_701, %get3A_702] {strides = array<i32>} : memref<2x200xf32, #tpu.memory_space<vmem>>, vector<16xf32>,
      %add3A_704 = arith.addf %add3A_689, %get3A_703 : vector<16xf32>
      %scan3A_705 = arith.constant 4 : i32
      %mul3A_706 = arith.constant 16 : i32
      %mul3A_707 = arith.muli %scan3A_705, %mul3A_706 : i32
      %get3A_708 = arith.constant 1 : i32
      %get3A_709 = arith.index_cast %get3A_708 : i32 to index
      %get3A_710 = arith.index_cast %mul3A_707 : i32 to index
      %get3A_711 = tpu.vector_load %arg9[%get3A_709, %get3A_710] {strides = array<i32>} : memref<2x200xf32, #tpu.memory_space<vmem>>, vector<16xf32>,
      %add3A_712 = arith.addf %add3A_697, %get3A_711 : vector<16xf32>
      %mul3A_713 = arith.constant 16 : i32
      %mul3A_714 = arith.muli %scan3A_705, %mul3A_713 : i32
      %get3A_715 = arith.constant 1 : i32
      %get3A_716 = arith.index_cast %get3A_715 : i32 to index
      %get3A_717 = arith.index_cast %mul3A_714 : i32 to index
      %get3A_718 = tpu.vector_load %arg10[%get3A_716, %get3A_717] {strides = array<i32>} : memref<2x200xf32, #tpu.memory_space<vmem>>, vector<16xf32>,
      %add3A_719 = arith.addf %add3A_704, %get3A_718 : vector<16xf32>
      %scan3A_720 = arith.constant 5 : i32
      %mul3A_721 = arith.constant 16 : i32
      %mul3A_722 = arith.muli %scan3A_720, %mul3A_721 : i32
      %get3A_723 = arith.constant 1 : i32
      %get3A_724 = arith.index_cast %get3A_723 : i32 to index
      %get3A_725 = arith.index_cast %mul3A_722 : i32 to index
      %get3A_726 = tpu.vector_load %arg9[%get3A_724, %get3A_725] {strides = array<i32>} : memref<2x200xf32, #tpu.memory_space<vmem>>, vector<16xf32>,
      %add3A_727 = arith.addf %add3A_712, %get3A_726 : vector<16xf32>
      %mul3A_728 = arith.constant 16 : i32
      %mul3A_729 = arith.muli %scan3A_720, %mul3A_728 : i32
      %get3A_730 = arith.constant 1 : i32
      %get3A_731 = arith.index_cast %get3A_730 : i32 to index
      %get3A_732 = arith.index_cast %mul3A_729 : i32 to index
      %get3A_733 = tpu.vector_load %arg10[%get3A_731, %get3A_732] {strides = array<i32>} : memref<2x200xf32, #tpu.memory_space<vmem>>, vector<16xf32>,
      %add3A_734 = arith.addf %add3A_719, %get3A_733 : vector<16xf32>
      %scan3A_735 = arith.constant 6 : i32
      %mul3A_736 = arith.constant 16 : i32
      %mul3A_737 = arith.muli %scan3A_735, %mul3A_736 : i32
      %get3A_738 = arith.constant 1 : i32
      %get3A_739 = arith.index_cast %get3A_738 : i32 to index
      %get3A_740 = arith.index_cast %mul3A_737 : i32 to index
      %get3A_741 = tpu.vector_load %arg9[%get3A_739, %get3A_740] {strides = array<i32>} : memref<2x200xf32, #tpu.memory_space<vmem>>, vector<16xf32>,
      %add3A_742 = arith.addf %add3A_727, %get3A_741 : vector<16xf32>
      %mul3A_743 = arith.constant 16 : i32
      %mul3A_744 = arith.muli %scan3A_735, %mul3A_743 : i32
      %get3A_745 = arith.constant 1 : i32
      %get3A_746 = arith.index_cast %get3A_745 : i32 to index
      %get3A_747 = arith.index_cast %mul3A_744 : i32 to index
      %get3A_748 = tpu.vector_load %arg10[%get3A_746, %get3A_747] {strides = array<i32>} : memref<2x200xf32, #tpu.memory_space<vmem>>, vector<16xf32>,
      %add3A_749 = arith.addf %add3A_734, %get3A_748 : vector<16xf32>
      %scan3A_750 = arith.constant 7 : i32
      %mul3A_751 = arith.constant 16 : i32
      %mul3A_752 = arith.muli %scan3A_750, %mul3A_751 : i32
      %get3A_753 = arith.constant 1 : i32
      %get3A_754 = arith.index_cast %get3A_753 : i32 to index
      %get3A_755 = arith.index_cast %mul3A_752 : i32 to index
      %get3A_756 = tpu.vector_load %arg9[%get3A_754, %get3A_755] {strides = array<i32>} : memref<2x200xf32, #tpu.memory_space<vmem>>, vector<16xf32>,
      %add3A_757 = arith.addf %add3A_742, %get3A_756 : vector<16xf32>
      %mul3A_758 = arith.constant 16 : i32
      %mul3A_759 = arith.muli %scan3A_750, %mul3A_758 : i32
      %get3A_760 = arith.constant 1 : i32
      %get3A_761 = arith.index_cast %get3A_760 : i32 to index
      %get3A_762 = arith.index_cast %mul3A_759 : i32 to index
      %get3A_763 = tpu.vector_load %arg10[%get3A_761, %get3A_762] {strides = array<i32>} : memref<2x200xf32, #tpu.memory_space<vmem>>, vector<16xf32>,
      %add3A_764 = arith.addf %add3A_749, %get3A_763 : vector<16xf32>
      %scan3A_765 = arith.constant 8 : i32
      %mul3A_766 = arith.constant 16 : i32
      %mul3A_767 = arith.muli %scan3A_765, %mul3A_766 : i32
      %get3A_768 = arith.constant 1 : i32
      %get3A_769 = arith.index_cast %get3A_768 : i32 to index
      %get3A_770 = arith.index_cast %mul3A_767 : i32 to index
      %get3A_771 = tpu.vector_load %arg9[%get3A_769, %get3A_770] {strides = array<i32>} : memref<2x200xf32, #tpu.memory_space<vmem>>, vector<16xf32>,
      %add3A_772 = arith.addf %add3A_757, %get3A_771 : vector<16xf32>
      %mul3A_773 = arith.constant 16 : i32
      %mul3A_774 = arith.muli %scan3A_765, %mul3A_773 : i32
      %get3A_775 = arith.constant 1 : i32
      %get3A_776 = arith.index_cast %get3A_775 : i32 to index
      %get3A_777 = arith.index_cast %mul3A_774 : i32 to index
      %get3A_778 = tpu.vector_load %arg10[%get3A_776, %get3A_777] {strides = array<i32>} : memref<2x200xf32, #tpu.memory_space<vmem>>, vector<16xf32>,
      %add3A_779 = arith.addf %add3A_764, %get3A_778 : vector<16xf32>
      %scan3A_780 = arith.constant 9 : i32
      %mul3A_781 = arith.constant 16 : i32
      %mul3A_782 = arith.muli %scan3A_780, %mul3A_781 : i32
      %get3A_783 = arith.constant 1 : i32
      %get3A_784 = arith.index_cast %get3A_783 : i32 to index
      %get3A_785 = arith.index_cast %mul3A_782 : i32 to index
      %get3A_786 = tpu.vector_load %arg9[%get3A_784, %get3A_785] {strides = array<i32>} : memref<2x200xf32, #tpu.memory_space<vmem>>, vector<16xf32>,
      %add3A_787 = arith.addf %add3A_772, %get3A_786 : vector<16xf32>
      %mul3A_788 = arith.constant 16 : i32
      %mul3A_789 = arith.muli %scan3A_780, %mul3A_788 : i32
      %get3A_790 = arith.constant 1 : i32
      %get3A_791 = arith.index_cast %get3A_790 : i32 to index
      %get3A_792 = arith.index_cast %mul3A_789 : i32 to index
      %get3A_793 = tpu.vector_load %arg10[%get3A_791, %get3A_792] {strides = array<i32>} : memref<2x200xf32, #tpu.memory_space<vmem>>, vector<16xf32>,
      %add3A_794 = arith.addf %add3A_779, %get3A_793 : vector<16xf32>
      %scan3A_795 = arith.constant 10 : i32
      %mul3A_796 = arith.constant 16 : i32
      %mul3A_797 = arith.muli %scan3A_795, %mul3A_796 : i32
      %get3A_798 = arith.constant 1 : i32
      %get3A_799 = arith.index_cast %get3A_798 : i32 to index
      %get3A_800 = arith.index_cast %mul3A_797 : i32 to index
      %get3A_801 = tpu.vector_load %arg9[%get3A_799, %get3A_800] {strides = array<i32>} : memref<2x200xf32, #tpu.memory_space<vmem>>, vector<16xf32>,
      %add3A_802 = arith.addf %add3A_787, %get3A_801 : vector<16xf32>
      %mul3A_803 = arith.constant 16 : i32
      %mul3A_804 = arith.muli %scan3A_795, %mul3A_803 : i32
      %get3A_805 = arith.constant 1 : i32
      %get3A_806 = arith.index_cast %get3A_805 : i32 to index
      %get3A_807 = arith.index_cast %mul3A_804 : i32 to index
      %get3A_808 = tpu.vector_load %arg10[%get3A_806, %get3A_807] {strides = array<i32>} : memref<2x200xf32, #tpu.memory_space<vmem>>, vector<16xf32>,
      %add3A_809 = arith.addf %add3A_794, %get3A_808 : vector<16xf32>
      %scan3A_810 = arith.constant 11 : i32
      %mul3A_811 = arith.constant 16 : i32
      %mul3A_812 = arith.muli %scan3A_810, %mul3A_811 : i32
      %get3A_813 = arith.constant 1 : i32
      %get3A_814 = arith.index_cast %get3A_813 : i32 to index
      %get3A_815 = arith.index_cast %mul3A_812 : i32 to index
      %get3A_816 = tpu.vector_load %arg9[%get3A_814, %get3A_815] {strides = array<i32>} : memref<2x200xf32, #tpu.memory_space<vmem>>, vector<16xf32>,
      %add3A_817 = arith.addf %add3A_802, %get3A_816 : vector<16xf32>
      %mul3A_818 = arith.constant 16 : i32
      %mul3A_819 = arith.muli %scan3A_810, %mul3A_818 : i32
      %get3A_820 = arith.constant 1 : i32
      %get3A_821 = arith.index_cast %get3A_820 : i32 to index
      %get3A_822 = arith.index_cast %mul3A_819 : i32 to index
      %get3A_823 = tpu.vector_load %arg10[%get3A_821, %get3A_822] {strides = array<i32>} : memref<2x200xf32, #tpu.memory_space<vmem>>, vector<16xf32>,
      %add3A_824 = arith.addf %add3A_809, %get3A_823 : vector<16xf32>
      %scan3A_825 = arith.constant 12 : i32
      %get3A_826 = arith.constant 1 : i32
      %get3A_827 = arith.index_cast %get3A_826 : i32 to index
      %get3A_828 = arith.constant 184 : index
      %get3A_829 = tpu.vector_load %arg9[%get3A_827, %get3A_828] {strides = array<i32>} : memref<2x200xf32, #tpu.memory_space<vmem>>, vector<16xf32>,
      %get3A_830 = arith.constant 1 : i32
      %get3A_831 = arith.index_cast %get3A_830 : i32 to index
      %get3A_832 = arith.constant 184 : index
      %get3A_833 = tpu.vector_load %arg10[%get3A_831, %get3A_832] {strides = array<i32>} : memref<2x200xf32, #tpu.memory_space<vmem>>, vector<16xf32>,
      %jit3A_834 = arith.constant 0.000000e+00 : f32
      %broadcast_in_dim3A_835 = vector.broadcast %jit3A_834 : f32 to vector<16xf32>
      %select_n3A_836 = arith.select %ge3A_7, %get3A_829, %broadcast_in_dim3A_835 : vector<16xi1>, vector<16xf32>
      %add3A_837 = arith.addf %add3A_817, %select_n3A_836 : vector<16xf32>
      %jit3A_838 = arith.constant 0.000000e+00 : f32
      %broadcast_in_dim3A_839 = vector.broadcast %jit3A_838 : f32 to vector<16xf32>
      %select_n3A_840 = arith.select %ge3A_7, %get3A_833, %broadcast_in_dim3A_839 : vector<16xi1>, vector<16xf32>
      %add3A_841 = arith.addf %add3A_824, %select_n3A_840 : vector<16xf32>
      %get3A_842 = arith.index_cast %add3A_642 : i32 to index
      %get3A_843 = tpu.vector_load %arg11[%get3A_842] {strides = array<i32>} : memref<144xf32, #tpu.memory_space<vmem>>, vector<16xf32>,
      %div3A_844 = arith.constant 1.000000e+00 : f32
      %div3A_845 = vector.broadcast %div3A_844 : f32 to vector<16xf32>
      %div3A_846 = arith.divf %div3A_845, %get3A_843 : vector<16xf32>
      %slice3A_847 = vector.extract_strided_slice %div3A_846 {offsets = [0], sizes = [1], strides = [1]} : vector<16xf32> to vector<1xf32>
      %squeeze3A_848 = vector.extract %slice3A_847[0] : f32 from vector<1xf32>
      %reduce_sum3A_849 = arith.constant true
      %reduce_sum3A_850 = vector.broadcast %reduce_sum3A_849 : i1 to vector<16xi1>
      %reduce_sum3A_851 = tpu.scan <sum>, %add3A_837 masked %reduce_sum3A_850 : vector<16xf32>, vector<16xi1> -> vector<16xf32>
      %reduce_sum3A_852 = vector.extract %reduce_sum3A_851[15] : f32 from vector<16xf32>
      %mul3A_853 = arith.mulf %reduce_sum3A_852, %squeeze3A_848 : f32
      %add3A_854 = arith.addf %mul3A_853, %squeeze3A : f32
      %reduce_sum3A_855 = arith.constant true
      %reduce_sum3A_856 = vector.broadcast %reduce_sum3A_855 : i1 to vector<16xi1>
      %reduce_sum3A_857 = tpu.scan <sum>, %add3A_841 masked %reduce_sum3A_856 : vector<16xf32>, vector<16xi1> -> vector<16xf32>
      %reduce_sum3A_858 = vector.extract %reduce_sum3A_857[15] : f32 from vector<16xf32>
      %mul3A_859 = arith.mulf %reduce_sum3A_858, %squeeze3A_848 : f32
      %add3A_860 = arith.addf %mul3A_859, %squeeze3A_5 : f32
      %eq3A_861 = arith.constant 0 : i32
      %eq3A_862 = vector.broadcast %eq3A_861 : i32 to vector<16xi32>
      %eq3A_863 = arith.cmpi eq, %iota3A, %eq3A_862 : vector<16xi32>
      %broadcast_in_dim3A_864 = vector.broadcast %add3A_854 : f32 to vector<16xf32>
      %broadcast_in_dim3A_865 = vector.broadcast %add3A_860 : f32 to vector<16xf32>
      %select_n3A_866 = arith.select %eq3A_863, %broadcast_in_dim3A_864, %broadcast_in_dim3A_865 : vector<16xi1>, vector<16xf32>
      %neg3A_867 = arith.constant 0.000000e+00 : f32
      %neg3A_868 = vector.broadcast %neg3A_867 : f32 to vector<16xf32>
      %neg3A_869 = arith.subf %neg3A_868, %select_n3A_866 : vector<16xf32>
      %exp3A_870 = math.exp %neg3A_869 : vector<16xf32>
      %add3A_871 = arith.constant 1.000000e+00 : f32
      %add3A_872 = vector.broadcast %add3A_871 : f32 to vector<16xf32>
      %add3A_873 = arith.addf %add3A_872, %exp3A_870 : vector<16xf32>
      %div3A_874 = arith.constant 1.000000e+00 : f32
      %div3A_875 = vector.broadcast %div3A_874 : f32 to vector<16xf32>
      %div3A_876 = arith.divf %div3A_875, %add3A_873 : vector<16xf32>
      %mul3A_877 = arith.constant 16 : i32
      %mul3A_878 = arith.muli %add3A_642, %mul3A_877 : i32
      %swap3A_879 = arith.index_cast %mul3A_878 : i32 to index
      %swap3A_880 = tpu.vector_load %arg13[%swap3A_879] {strides = array<i32>} : memref<2048xf32, #tpu.memory_space<vmem>>, vector<16xf32>,
      tpu.vector_store %arg13[%swap3A_879], %div3A_876 {strides = array<i32>} : memref<2048xf32, #tpu.memory_space<vmem>>, vector<16xf32>,
      %add3A_881 = arith.constant 3 : i32
      %add3A_882 = arith.addi %mul3A_243, %add3A_881 : i32
      %min3A_883 = arith.constant 127 : i32
      %min3A_884 = arith.minsi %add3A_882, %min3A_883 : i32
      %add3A_885 = arith.addi %mul3A_2, %min3A_884 : i32
      %mul3A_886 = arith.constant 200 : i32
      %mul3A_887 = arith.muli %add3A_885, %mul3A_886 : i32
      %dma_wait3A_888 = arith.constant 1 : i32
      %dma_wait3A_889 = arith.constant 0 : i32
      %dma_wait3A_890 = tpu.memref_slice %arg8[%dma_wait3A_888, %dma_wait3A_889] : memref<2x200xi32, #tpu.memory_space<vmem>> -> memref<1x200xi32, #tpu.memory_space<vmem>>
      %dma_wait3A_891 = tpu.memref_squeeze %dma_wait3A_890 : memref<1x200xi32, #tpu.memory_space<vmem>> -> memref<200xi32, #tpu.memory_space<vmem>>
      %dma_wait3A_892 = tpu.memref_slice %arg2[%mul3A_887] : memref<819200xi32, #tpu.memory_space<hbm>> -> memref<200xi32, #tpu.memory_space<hbm>>
      %dma_wait3A_893 = arith.constant 0 : i32
      %dma_wait3A_894 = tpu.memref_slice %arg8[%dma_wait3A_888, %dma_wait3A_893] : memref<2x200xi32, #tpu.memory_space<vmem>> -> memref<1x200xi32, #tpu.memory_space<vmem>>
      %dma_wait3A_895 = tpu.memref_squeeze %dma_wait3A_894 : memref<1x200xi32, #tpu.memory_space<vmem>> -> memref<200xi32, #tpu.memory_space<vmem>>
      %dma_wait3A_896 = tpu.memref_slice %arg2[%mul3A_887] : memref<819200xi32, #tpu.memory_space<hbm>> -> memref<200xi32, #tpu.memory_space<hbm>>
      tpu.wait_dma2 semaphore(%arg18 : memref<!tpu.dma_semaphore, #tpu.memory_space<semaphore_mem>>) src(%dma_wait3A_896 : memref<200xi32, #tpu.memory_space<hbm>>) dst(%dma_wait3A_895 : memref<200xi32, #tpu.memory_space<vmem>>)
      %dma_start3A_897 = arith.constant 1 : i32
      %dma_start3A_898 = arith.constant 1 : i32
      %dma_start3A_899 = arith.constant 0 : i32
      %dma_start3A_900 = tpu.memref_slice %arg9[%dma_start3A_898, %dma_start3A_899] : memref<2x200xf32, #tpu.memory_space<vmem>> -> memref<1x96xf32, #tpu.memory_space<vmem>>
      %dma_start3A_901 = tpu.memref_squeeze %dma_start3A_900 : memref<1x96xf32, #tpu.memory_space<vmem>> -> memref<96xf32, #tpu.memory_space<vmem>>
      %dma_start3A_902 = arith.constant 0 : i32
      %dma_start3A_903 = tpu.memref_slice %arg8[%dma_start3A_897, %dma_start3A_902] : memref<2x200xi32, #tpu.memory_space<vmem>> -> memref<1x96xi32, #tpu.memory_space<vmem>>
      %dma_start3A_904 = tpu.memref_squeeze %dma_start3A_903 : memref<1x96xi32, #tpu.memory_space<vmem>> -> memref<96xi32, #tpu.memory_space<vmem>>
      %dma_start3A_905 = arith.constant 0 : i32
      %dma_start3A_906 = tpu.memref_slice %arg4[%dma_start3A_905] : memref<1000000xf32, #tpu.memory_space<hbm>> -> memref<1000000xf32, #tpu.memory_space<hbm>>
      tpu.enqueue_indirect_dma source(%dma_start3A_906 : memref<1000000xf32, #tpu.memory_space<hbm>>) target(%dma_start3A_901 : memref<96xf32, #tpu.memory_space<vmem>>) offsets(%dma_start3A_904 : memref<96xi32, #tpu.memory_space<vmem>>) semaphore(%arg16 : memref<!tpu.dma_semaphore, #tpu.memory_space<semaphore_mem>>)
      %dma_start3A_907 = arith.constant 1 : i32
      %dma_start3A_908 = arith.constant 1 : i32
      %dma_start3A_909 = arith.constant 96 : i32
      %dma_start3A_910 = tpu.memref_slice %arg9[%dma_start3A_908, %dma_start3A_909] : memref<2x200xf32, #tpu.memory_space<vmem>> -> memref<1x104xf32, #tpu.memory_space<vmem>>
      %dma_start3A_911 = tpu.memref_squeeze %dma_start3A_910 : memref<1x104xf32, #tpu.memory_space<vmem>> -> memref<104xf32, #tpu.memory_space<vmem>>
      %dma_start3A_912 = arith.constant 96 : i32
      %dma_start3A_913 = tpu.memref_slice %arg8[%dma_start3A_907, %dma_start3A_912] : memref<2x200xi32, #tpu.memory_space<vmem>> -> memref<1x104xi32, #tpu.memory_space<vmem>>
      %dma_start3A_914 = tpu.memref_squeeze %dma_start3A_913 : memref<1x104xi32, #tpu.memory_space<vmem>> -> memref<104xi32, #tpu.memory_space<vmem>>
      %dma_start3A_915 = arith.constant 0 : i32
      %dma_start3A_916 = tpu.memref_slice %arg4[%dma_start3A_915] : memref<1000000xf32, #tpu.memory_space<hbm>> -> memref<1000000xf32, #tpu.memory_space<hbm>>
      tpu.enqueue_indirect_dma source(%dma_start3A_916 : memref<1000000xf32, #tpu.memory_space<hbm>>) target(%dma_start3A_911 : memref<104xf32, #tpu.memory_space<vmem>>) offsets(%dma_start3A_914 : memref<104xi32, #tpu.memory_space<vmem>>) semaphore(%arg16 : memref<!tpu.dma_semaphore, #tpu.memory_space<semaphore_mem>>)
      %dma_start3A_917 = arith.constant 1 : i32
      %dma_start3A_918 = arith.constant 1 : i32
      %dma_start3A_919 = arith.constant 0 : i32
      %dma_start3A_920 = tpu.memref_slice %arg10[%dma_start3A_918, %dma_start3A_919] : memref<2x200xf32, #tpu.memory_space<vmem>> -> memref<1x96xf32, #tpu.memory_space<vmem>>
      %dma_start3A_921 = tpu.memref_squeeze %dma_start3A_920 : memref<1x96xf32, #tpu.memory_space<vmem>> -> memref<96xf32, #tpu.memory_space<vmem>>
      %dma_start3A_922 = arith.constant 0 : i32
      %dma_start3A_923 = tpu.memref_slice %arg8[%dma_start3A_917, %dma_start3A_922] : memref<2x200xi32, #tpu.memory_space<vmem>> -> memref<1x96xi32, #tpu.memory_space<vmem>>
      %dma_start3A_924 = tpu.memref_squeeze %dma_start3A_923 : memref<1x96xi32, #tpu.memory_space<vmem>> -> memref<96xi32, #tpu.memory_space<vmem>>
      %dma_start3A_925 = arith.constant 0 : i32
      %dma_start3A_926 = tpu.memref_slice %arg5[%dma_start3A_925] : memref<1000000xf32, #tpu.memory_space<hbm>> -> memref<1000000xf32, #tpu.memory_space<hbm>>
      tpu.enqueue_indirect_dma source(%dma_start3A_926 : memref<1000000xf32, #tpu.memory_space<hbm>>) target(%dma_start3A_921 : memref<96xf32, #tpu.memory_space<vmem>>) offsets(%dma_start3A_924 : memref<96xi32, #tpu.memory_space<vmem>>) semaphore(%arg16 : memref<!tpu.dma_semaphore, #tpu.memory_space<semaphore_mem>>)
      %dma_start3A_927 = arith.constant 1 : i32
      %dma_start3A_928 = arith.constant 1 : i32
      %dma_start3A_929 = arith.constant 96 : i32
      %dma_start3A_930 = tpu.memref_slice %arg10[%dma_start3A_928, %dma_start3A_929] : memref<2x200xf32, #tpu.memory_space<vmem>> -> memref<1x104xf32, #tpu.memory_space<vmem>>
      %dma_start3A_931 = tpu.memref_squeeze %dma_start3A_930 : memref<1x104xf32, #tpu.memory_space<vmem>> -> memref<104xf32, #tpu.memory_space<vmem>>
      %dma_start3A_932 = arith.constant 96 : i32
      %dma_start3A_933 = tpu.memref_slice %arg8[%dma_start3A_927, %dma_start3A_932] : memref<2x200xi32, #tpu.memory_space<vmem>> -> memref<1x104xi32, #tpu.memory_space<vmem>>
      %dma_start3A_934 = tpu.memref_squeeze %dma_start3A_933 : memref<1x104xi32, #tpu.memory_space<vmem>> -> memref<104xi32, #tpu.memory_space<vmem>>
      %dma_start3A_935 = arith.constant 0 : i32
      %dma_start3A_936 = tpu.memref_slice %arg5[%dma_start3A_935] : memref<1000000xf32, #tpu.memory_space<hbm>> -> memref<1000000xf32, #tpu.memory_space<hbm>>
      tpu.enqueue_indirect_dma source(%dma_start3A_936 : memref<1000000xf32, #tpu.memory_space<hbm>>) target(%dma_start3A_931 : memref<104xf32, #tpu.memory_space<vmem>>) offsets(%dma_start3A_934 : memref<104xi32, #tpu.memory_space<vmem>>) semaphore(%arg16 : memref<!tpu.dma_semaphore, #tpu.memory_space<semaphore_mem>>)
      %scan3A_937 = arith.constant 0 : i32
      scf.yield %scan3A_937 : i32
    }
    %scan3A_150 = arith.constant 64 : i32
    %dma_wait3A_151 = arith.constant 0 : i32
    %dma_wait3A_152 = arith.constant 0 : i32
    %dma_wait3A_153 = arith.constant 0 : i32
    %dma_wait3A_154 = tpu.memref_slice %arg9[%dma_wait3A_152, %dma_wait3A_153] : memref<2x200xf32, #tpu.memory_space<vmem>> -> memref<1x96xf32, #tpu.memory_space<vmem>>
    %dma_wait3A_155 = tpu.memref_squeeze %dma_wait3A_154 : memref<1x96xf32, #tpu.memory_space<vmem>> -> memref<96xf32, #tpu.memory_space<vmem>>
    %dma_wait3A_156 = arith.constant 0 : i32
    %dma_wait3A_157 = tpu.memref_slice %arg8[%dma_wait3A_151, %dma_wait3A_156] : memref<2x200xi32, #tpu.memory_space<vmem>> -> memref<1x96xi32, #tpu.memory_space<vmem>>
    %dma_wait3A_158 = tpu.memref_squeeze %dma_wait3A_157 : memref<1x96xi32, #tpu.memory_space<vmem>> -> memref<96xi32, #tpu.memory_space<vmem>>
    %dma_wait3A_159 = arith.constant 0 : i32
    %dma_wait3A_160 = tpu.memref_slice %arg4[%dma_wait3A_159] : memref<1000000xf32, #tpu.memory_space<hbm>> -> memref<1000000xf32, #tpu.memory_space<hbm>>
    tpu.wait_indirect_dma semaphore(%arg15 : memref<!tpu.dma_semaphore, #tpu.memory_space<semaphore_mem>>) src(%dma_wait3A_160 : memref<1000000xf32, #tpu.memory_space<hbm>>) dst(%dma_wait3A_155 : memref<96xf32, #tpu.memory_space<vmem>>)
    %dma_wait3A_161 = arith.constant 0 : i32
    %dma_wait3A_162 = arith.constant 0 : i32
    %dma_wait3A_163 = arith.constant 96 : i32
    %dma_wait3A_164 = tpu.memref_slice %arg9[%dma_wait3A_162, %dma_wait3A_163] : memref<2x200xf32, #tpu.memory_space<vmem>> -> memref<1x104xf32, #tpu.memory_space<vmem>>
    %dma_wait3A_165 = tpu.memref_squeeze %dma_wait3A_164 : memref<1x104xf32, #tpu.memory_space<vmem>> -> memref<104xf32, #tpu.memory_space<vmem>>
    %dma_wait3A_166 = arith.constant 96 : i32
    %dma_wait3A_167 = tpu.memref_slice %arg8[%dma_wait3A_161, %dma_wait3A_166] : memref<2x200xi32, #tpu.memory_space<vmem>> -> memref<1x104xi32, #tpu.memory_space<vmem>>
    %dma_wait3A_168 = tpu.memref_squeeze %dma_wait3A_167 : memref<1x104xi32, #tpu.memory_space<vmem>> -> memref<104xi32, #tpu.memory_space<vmem>>
    %dma_wait3A_169 = arith.constant 0 : i32
    %dma_wait3A_170 = tpu.memref_slice %arg4[%dma_wait3A_169] : memref<1000000xf32, #tpu.memory_space<hbm>> -> memref<1000000xf32, #tpu.memory_space<hbm>>
    tpu.wait_indirect_dma semaphore(%arg15 : memref<!tpu.dma_semaphore, #tpu.memory_space<semaphore_mem>>) src(%dma_wait3A_170 : memref<1000000xf32, #tpu.memory_space<hbm>>) dst(%dma_wait3A_165 : memref<104xf32, #tpu.memory_space<vmem>>)
    %dma_wait3A_171 = arith.constant 0 : i32
    %dma_wait3A_172 = arith.constant 0 : i32
    %dma_wait3A_173 = arith.constant 0 : i32
    %dma_wait3A_174 = tpu.memref_slice %arg10[%dma_wait3A_172, %dma_wait3A_173] : memref<2x200xf32, #tpu.memory_space<vmem>> -> memref<1x96xf32, #tpu.memory_space<vmem>>
    %dma_wait3A_175 = tpu.memref_squeeze %dma_wait3A_174 : memref<1x96xf32, #tpu.memory_space<vmem>> -> memref<96xf32, #tpu.memory_space<vmem>>
    %dma_wait3A_176 = arith.constant 0 : i32
    %dma_wait3A_177 = tpu.memref_slice %arg8[%dma_wait3A_171, %dma_wait3A_176] : memref<2x200xi32, #tpu.memory_space<vmem>> -> memref<1x96xi32, #tpu.memory_space<vmem>>
    %dma_wait3A_178 = tpu.memref_squeeze %dma_wait3A_177 : memref<1x96xi32, #tpu.memory_space<vmem>> -> memref<96xi32, #tpu.memory_space<vmem>>
    %dma_wait3A_179 = arith.constant 0 : i32
    %dma_wait3A_180 = tpu.memref_slice %arg5[%dma_wait3A_179] : memref<1000000xf32, #tpu.memory_space<hbm>> -> memref<1000000xf32, #tpu.memory_space<hbm>>
    tpu.wait_indirect_dma semaphore(%arg15 : memref<!tpu.dma_semaphore, #tpu.memory_space<semaphore_mem>>) src(%dma_wait3A_180 : memref<1000000xf32, #tpu.memory_space<hbm>>) dst(%dma_wait3A_175 : memref<96xf32, #tpu.memory_space<vmem>>)
    %dma_wait3A_181 = arith.constant 0 : i32
    %dma_wait3A_182 = arith.constant 0 : i32
    %dma_wait3A_183 = arith.constant 96 : i32
    %dma_wait3A_184 = tpu.memref_slice %arg10[%dma_wait3A_182, %dma_wait3A_183] : memref<2x200xf32, #tpu.memory_space<vmem>> -> memref<1x104xf32, #tpu.memory_space<vmem>>
    %dma_wait3A_185 = tpu.memref_squeeze %dma_wait3A_184 : memref<1x104xf32, #tpu.memory_space<vmem>> -> memref<104xf32, #tpu.memory_space<vmem>>
    %dma_wait3A_186 = arith.constant 96 : i32
    %dma_wait3A_187 = tpu.memref_slice %arg8[%dma_wait3A_181, %dma_wait3A_186] : memref<2x200xi32, #tpu.memory_space<vmem>> -> memref<1x104xi32, #tpu.memory_space<vmem>>
    %dma_wait3A_188 = tpu.memref_squeeze %dma_wait3A_187 : memref<1x104xi32, #tpu.memory_space<vmem>> -> memref<104xi32, #tpu.memory_space<vmem>>
    %dma_wait3A_189 = arith.constant 0 : i32
    %dma_wait3A_190 = tpu.memref_slice %arg5[%dma_wait3A_189] : memref<1000000xf32, #tpu.memory_space<hbm>> -> memref<1000000xf32, #tpu.memory_space<hbm>>
    tpu.wait_indirect_dma semaphore(%arg15 : memref<!tpu.dma_semaphore, #tpu.memory_space<semaphore_mem>>) src(%dma_wait3A_190 : memref<1000000xf32, #tpu.memory_space<hbm>>) dst(%dma_wait3A_185 : memref<104xf32, #tpu.memory_space<vmem>>)
    %dma_wait3A_191 = arith.constant 1 : i32
    %dma_wait3A_192 = arith.constant 1 : i32
    %dma_wait3A_193 = arith.constant 0 : i32
    %dma_wait3A_194 = tpu.memref_slice %arg9[%dma_wait3A_192, %dma_wait3A_193] : memref<2x200xf32, #tpu.memory_space<vmem>> -> memref<1x96xf32, #tpu.memory_space<vmem>>
    %dma_wait3A_195 = tpu.memref_squeeze %dma_wait3A_194 : memref<1x96xf32, #tpu.memory_space<vmem>> -> memref<96xf32, #tpu.memory_space<vmem>>
    %dma_wait3A_196 = arith.constant 0 : i32
    %dma_wait3A_197 = tpu.memref_slice %arg8[%dma_wait3A_191, %dma_wait3A_196] : memref<2x200xi32, #tpu.memory_space<vmem>> -> memref<1x96xi32, #tpu.memory_space<vmem>>
    %dma_wait3A_198 = tpu.memref_squeeze %dma_wait3A_197 : memref<1x96xi32, #tpu.memory_space<vmem>> -> memref<96xi32, #tpu.memory_space<vmem>>
    %dma_wait3A_199 = arith.constant 0 : i32
    %dma_wait3A_200 = tpu.memref_slice %arg4[%dma_wait3A_199] : memref<1000000xf32, #tpu.memory_space<hbm>> -> memref<1000000xf32, #tpu.memory_space<hbm>>
    tpu.wait_indirect_dma semaphore(%arg16 : memref<!tpu.dma_semaphore, #tpu.memory_space<semaphore_mem>>) src(%dma_wait3A_200 : memref<1000000xf32, #tpu.memory_space<hbm>>) dst(%dma_wait3A_195 : memref<96xf32, #tpu.memory_space<vmem>>)
    %dma_wait3A_201 = arith.constant 1 : i32
    %dma_wait3A_202 = arith.constant 1 : i32
    %dma_wait3A_203 = arith.constant 96 : i32
    %dma_wait3A_204 = tpu.memref_slice %arg9[%dma_wait3A_202, %dma_wait3A_203] : memref<2x200xf32, #tpu.memory_space<vmem>> -> memref<1x104xf32, #tpu.memory_space<vmem>>
    %dma_wait3A_205 = tpu.memref_squeeze %dma_wait3A_204 : memref<1x104xf32, #tpu.memory_space<vmem>> -> memref<104xf32, #tpu.memory_space<vmem>>
    %dma_wait3A_206 = arith.constant 96 : i32
    %dma_wait3A_207 = tpu.memref_slice %arg8[%dma_wait3A_201, %dma_wait3A_206] : memref<2x200xi32, #tpu.memory_space<vmem>> -> memref<1x104xi32, #tpu.memory_space<vmem>>
    %dma_wait3A_208 = tpu.memref_squeeze %dma_wait3A_207 : memref<1x104xi32, #tpu.memory_space<vmem>> -> memref<104xi32, #tpu.memory_space<vmem>>
    %dma_wait3A_209 = arith.constant 0 : i32
    %dma_wait3A_210 = tpu.memref_slice %arg4[%dma_wait3A_209] : memref<1000000xf32, #tpu.memory_space<hbm>> -> memref<1000000xf32, #tpu.memory_space<hbm>>
    tpu.wait_indirect_dma semaphore(%arg16 : memref<!tpu.dma_semaphore, #tpu.memory_space<semaphore_mem>>) src(%dma_wait3A_210 : memref<1000000xf32, #tpu.memory_space<hbm>>) dst(%dma_wait3A_205 : memref<104xf32, #tpu.memory_space<vmem>>)
    %dma_wait3A_211 = arith.constant 1 : i32
    %dma_wait3A_212 = arith.constant 1 : i32
    %dma_wait3A_213 = arith.constant 0 : i32
    %dma_wait3A_214 = tpu.memref_slice %arg10[%dma_wait3A_212, %dma_wait3A_213] : memref<2x200xf32, #tpu.memory_space<vmem>> -> memref<1x96xf32, #tpu.memory_space<vmem>>
    %dma_wait3A_215 = tpu.memref_squeeze %dma_wait3A_214 : memref<1x96xf32, #tpu.memory_space<vmem>> -> memref<96xf32, #tpu.memory_space<vmem>>
    %dma_wait3A_216 = arith.constant 0 : i32
    %dma_wait3A_217 = tpu.memref_slice %arg8[%dma_wait3A_211, %dma_wait3A_216] : memref<2x200xi32, #tpu.memory_space<vmem>> -> memref<1x96xi32, #tpu.memory_space<vmem>>
    %dma_wait3A_218 = tpu.memref_squeeze %dma_wait3A_217 : memref<1x96xi32, #tpu.memory_space<vmem>> -> memref<96xi32, #tpu.memory_space<vmem>>
    %dma_wait3A_219 = arith.constant 0 : i32
    %dma_wait3A_220 = tpu.memref_slice %arg5[%dma_wait3A_219] : memref<1000000xf32, #tpu.memory_space<hbm>> -> memref<1000000xf32, #tpu.memory_space<hbm>>
    tpu.wait_indirect_dma semaphore(%arg16 : memref<!tpu.dma_semaphore, #tpu.memory_space<semaphore_mem>>) src(%dma_wait3A_220 : memref<1000000xf32, #tpu.memory_space<hbm>>) dst(%dma_wait3A_215 : memref<96xf32, #tpu.memory_space<vmem>>)
    %dma_wait3A_221 = arith.constant 1 : i32
    %dma_wait3A_222 = arith.constant 1 : i32
    %dma_wait3A_223 = arith.constant 96 : i32
    %dma_wait3A_224 = tpu.memref_slice %arg10[%dma_wait3A_222, %dma_wait3A_223] : memref<2x200xf32, #tpu.memory_space<vmem>> -> memref<1x104xf32, #tpu.memory_space<vmem>>
    %dma_wait3A_225 = tpu.memref_squeeze %dma_wait3A_224 : memref<1x104xf32, #tpu.memory_space<vmem>> -> memref<104xf32, #tpu.memory_space<vmem>>
    %dma_wait3A_226 = arith.constant 96 : i32
    %dma_wait3A_227 = tpu.memref_slice %arg8[%dma_wait3A_221, %dma_wait3A_226] : memref<2x200xi32, #tpu.memory_space<vmem>> -> memref<1x104xi32, #tpu.memory_space<vmem>>
    %dma_wait3A_228 = tpu.memref_squeeze %dma_wait3A_227 : memref<1x104xi32, #tpu.memory_space<vmem>> -> memref<104xi32, #tpu.memory_space<vmem>>
    %dma_wait3A_229 = arith.constant 0 : i32
    %dma_wait3A_230 = tpu.memref_slice %arg5[%dma_wait3A_229] : memref<1000000xf32, #tpu.memory_space<hbm>> -> memref<1000000xf32, #tpu.memory_space<hbm>>
    tpu.wait_indirect_dma semaphore(%arg16 : memref<!tpu.dma_semaphore, #tpu.memory_space<semaphore_mem>>) src(%dma_wait3A_230 : memref<1000000xf32, #tpu.memory_space<hbm>>) dst(%dma_wait3A_225 : memref<104xf32, #tpu.memory_space<vmem>>)
    %scan3A_231 = arith.constant 0 : i32
    %scan3A_232 = arith.constant 0 : i32
    %scan3A_233 = arith.constant 16 : i32
    %scan3A_234 = arith.addi %scan3A_232, %scan3A_233 : i32
    %scan3A_235 = arith.constant 1 : i32
    %scan3A_236 = scf.for %scan3A_240 = %scan3A_232 to %scan3A_234 step %scan3A_235 iter_args(%scan3A_241 = %scan3A_231) -> (i32)  : i32 {
      %shift_right_arithmetic3A = arith.constant 1 : i32
      %shift_right_arithmetic3A_242 = vector.broadcast %shift_right_arithmetic3A : i32 to vector<16xi32>
      %shift_right_arithmetic3A_243 = arith.shrsi %iota3A, %shift_right_arithmetic3A_242 : vector<16xi32>
      %mul3A_244 = arith.constant 8 : i32
      %mul3A_245 = arith.muli %scan3A_240, %mul3A_244 : i32
      %add3A_246 = vector.broadcast %mul3A_245 : i32 to vector<16xi32>
      %add3A_247 = arith.addi %shift_right_arithmetic3A_243, %add3A_246 : vector<16xi32>
      %mul3A_248 = arith.constant 16 : i32
      %mul3A_249 = vector.broadcast %mul3A_248 : i32 to vector<16xi32>
      %mul3A_250 = arith.muli %add3A_247, %mul3A_249 : vector<16xi32>
      %and3A = arith.constant 1 : i32
      %and3A_251 = vector.broadcast %and3A : i32 to vector<16xi32>
      %and3A_252 = arith.andi %iota3A, %and3A_251 : vector<16xi32>
      %add3A_253 = arith.addi %mul3A_250, %and3A_252 : vector<16xi32>
      %gather3A = tpu.vector_load_idx %arg13[%add3A_253] : memref<2048xf32, #tpu.memory_space<vmem>>[vector<16xi32>], vector<16xf32>,
      %mul3A_254 = arith.constant 16 : i32
      %mul3A_255 = arith.muli %scan3A_240, %mul3A_254 : i32
      %swap3A = arith.index_cast %mul3A_255 : i32 to index
      %swap3A_256 = tpu.vector_load %arg14[%swap3A] {strides = array<i32>} : memref<256xf32, #tpu.memory_space<vmem>>, vector<16xf32>,
      tpu.vector_store %arg14[%swap3A], %gather3A {strides = array<i32>} : memref<256xf32, #tpu.memory_space<vmem>>, vector<16xf32>,
      %scan3A_257 = arith.constant 0 : i32
      scf.yield %scan3A_257 : i32
    }
    %scan3A_237 = arith.constant 16 : i32
    %mul3A_238 = arith.constant 2 : i32
    %mul3A_239 = arith.muli %mul3A_2, %mul3A_238 : i32
    "tpu.region"() ({
      %run_scoped3A = tpu.sem_alloc : memref<!tpu.dma_semaphore, #tpu.memory_space<semaphore_mem>>
      %dma_start3A_240 = tpu.memref_slice %arg7[%mul3A_239] : memref<8192xf32, #tpu.memory_space<hbm>> -> memref<256xf32, #tpu.memory_space<hbm>>
      %dma_start3A_241 = tpu.memref_slice %arg7[%mul3A_239] : memref<8192xf32, #tpu.memory_space<hbm>> -> memref<256xf32, #tpu.memory_space<hbm>>
      tpu.enqueue_dma source(%arg14 : memref<256xf32, #tpu.memory_space<vmem>>) target(%dma_start3A_241 : memref<256xf32, #tpu.memory_space<hbm>>) target_semaphore(%run_scoped3A : memref<!tpu.dma_semaphore, #tpu.memory_space<semaphore_mem>>)
      %dma_wait3A_242 = tpu.memref_slice %arg7[%mul3A_239] : memref<8192xf32, #tpu.memory_space<hbm>> -> memref<256xf32, #tpu.memory_space<hbm>>
      %dma_wait3A_243 = tpu.memref_slice %arg7[%mul3A_239] : memref<8192xf32, #tpu.memory_space<hbm>> -> memref<256xf32, #tpu.memory_space<hbm>>
      tpu.wait_dma2 semaphore(%run_scoped3A : memref<!tpu.dma_semaphore, #tpu.memory_space<semaphore_mem>>) src(%arg14 : memref<256xf32, #tpu.memory_space<vmem>>) dst(%dma_wait3A_243 : memref<256xf32, #tpu.memory_space<hbm>>)
      tpu.yield
    }) : () -> ()
    return
  }
}

module attributes {stable_mosaic.version = 14 : i64} {
  func.func @_tw_body(%arg0: i32, %arg1: memref<8x64xf32, #tpu.memory_space<vmem>>, %arg2: memref<8192x64xf32, #tpu.memory_space<vmem>>, %arg3: memref<2x8192xf32, #tpu.memory_space<vmem>>) attributes {dimension_semantics = [#tpu.dimension_semantics<arbitrary>], iteration_bounds = array<i64: 123>, scalar_prefetch = 0 : i64, scratch_operands = 0 : i64, tpu.core_type = #tpu.core_type<tc>, window_params = [{pipeline_mode = #tpu.pipeline_mode<synchronous>, transform_indices = @transform_0, window_bounds = array<i64: 8, 64>}, {transform_indices = @transform_1, window_bounds = array<i64: 8192, 64>}, {transform_indices = @transform_2, window_bounds = array<i64: 2, 8192>}]} {
    %get3A = arith.constant 0 : index
    %get3A_0 = arith.constant 0 : index
    %get3A_1 = vector.load %arg1[%get3A, %get3A_0] : memref<8x64xf32, #tpu.memory_space<vmem>>, vector<8x64xf32>
    %get3A_2 = arith.constant 0 : index
    %get3A_3 = arith.constant 0 : index
    %get3A_4 = vector.load %arg2[%get3A_2, %get3A_3] : memref<8192x64xf32, #tpu.memory_space<vmem>>, vector<8192x64xf32>
    %dot_general3A = arith.constant dense<0.000000e+00> : vector<8x8192xf32>
    %dot_general3A_5 = tpu.matmul %get3A_1, %get3A_4, %dot_general3A {dimension_numbers = #tpu.dot_dimension_numbers<[1], [1], [0], [0], [0, 0, 1, 0], [], []>, transpose_lhs_hint = false} : vector<8x64xf32>, vector<8192x64xf32>, vector<8x8192xf32> -> vector<8x8192xf32>
    %slice3A = vector.extract_strided_slice %dot_general3A_5 {offsets = [0, 0], sizes = [2, 8192], strides = [1, 1]} : vector<8x8192xf32> to vector<2x8192xf32>
    %swap3A = arith.constant 0 : index
    %swap3A_6 = arith.constant 0 : index
    %swap3A_7 = vector.load %arg3[%swap3A, %swap3A_6] : memref<2x8192xf32, #tpu.memory_space<vmem>>, vector<2x8192xf32>
    tpu.vector_store %arg3[%swap3A, %swap3A_6], %slice3A {strides = array<i32>} : memref<2x8192xf32, #tpu.memory_space<vmem>>, vector<2x8192xf32>,
    return
  }
  func.func @transform_0(%arg0: i32) -> (i32, i32) {
    %c0_i32 = arith.constant 0 : i32
    %c0_i32_0 = arith.constant 0 : i32
    %c0_i32_1 = arith.constant 0 : i32
    return %c0_i32, %c0_i32_0 : i32, i32
  }
  func.func @transform_1(%arg0: i32) -> (i32, i32) {
    %c0_i32 = arith.constant 0 : i32
    %c0_i32_0 = arith.constant 0 : i32
    return %arg0, %c0_i32 : i32, i32
  }
  func.func @transform_2(%arg0: i32) -> (i32, i32) {
    %c0_i32 = arith.constant 0 : i32
    %c0_i32_0 = arith.constant 0 : i32
    return %c0_i32, %arg0 : i32, i32
  }
}

</mosaic_0001>

<sc_bundles>
// kernel: kernel.4.cloned.1.call-start
scs
__scs_entry_jumppad:
0x0: {  	(pc) =	sbr.rel $0x88, $3  }
0x1: {  	(tag) =	ssettag $0x0;
	lr =	simm.s32 $0x1  }
0x2: {  	[smem:$0x3F9C] =	sst lr;
	_ =	strace $0xD0000000  }
0x3: {  	_ = 	snop  }
0x4: {  	_ = 	snop  }
0x5: {  	_ = 	snop  }
0x6: {  	_ = 	snop  }
0x7: {  	_ = 	snop  }
__scs_overlays_trampoline_lowered:
0x8: {  	[smem:$0x3FAB] =	sst s0  }
0x9: {  	[smem:$0x3FAC] =	sst s1  }
0xa: {  	[smem:$0x3FAD] =	sst s2  }
0xb: {  	[smem:$0x3FAE] =	sst s3  }
0xc: {  	[smem:$0x3FAF] =	sst s4  }
0xd: {  	[smem:$0x3FB0] =	sst s5  }
0xe: {  	[smem:$0x3FB1] =	sst s6  }
0xf: {  	[smem:$0x3FB2] =	sst s7  }
0x10: {  	[smem:$0x3FB3] =	sst s8  }
0x11: {  	[smem:$0x3FB4] =	sst s9;
	s0 =	simm.s32 @!p0 $0x0  }
0x12: {  	s1 =	sld [smem:$0x3F9A];
	s0 =	simm.s32 @p0 $0x1  }
0x13: {  	[smem:$0x3FB5] =	sst s0;
	s0 =	simm.s32 @!p1 $0x0  }
0x14: {  	s2 =	sld [smem:$0x3F99];
	s0 =	simm.s32 @p1 $0x1  }
0x15: {  	[smem:$0x3FB6] =	sst s0;
	s0 =	simm.s32 @!p2 $0x0  }
0x16: {  	s3 =	sld [smem:$0x3FDB];
	s0 =	simm.s32 @p2 $0x1  }
0x17: {  	s4 =	simm.s32 $0x1BF5;
	[smem:$0x3FB8] =	sst s0  }
0x18: {  	s0 =	sld [smem:$0x3F9B];
	_ =	swait.ge [sflag:s4], $0x0  }
0x19: {  	s7 =	sld [smem:$0x3F9C]  }
0x1a: {  	s8 =	sadd.s32 $0xFFFFE003, lr  }
0x1b: {  	s9 =	sadd.s32 $0xFFFFFEF7, lr;
	s5 =	simm.s32 $0xFFFFFFFF;
	p2 =	slt.u32 s8, $0xFFFFF086  }
0x1c: {  	p1 =	slt.u32 s9, $0xF7A;
	s5 =	simm.s32 @!p2 $0x0  }
0x1d: {  	s5 =	simm.s32 @p1 $0x1;
	p0 =	seq.s32 s7, s2  }
0x1e: {  	s7 =	smul.u32 @!p0 $0xF7A, s2;
	p2 =	seq.s32 @!p0 s5, $0x0  }
0x1f: {  	s9 =	smul.u32 $0xF7A, s1;
	s8 =	simm.s32 @!p0 $0x1BF5;
	p2 =	por !p2, p0  }
0x20: {  	[sflag:s8] =	ssyncset.s32 @!p0 $0xFFFFF086;
	s6 =	sadd.s32 @!p0 s3, s7;
	s7 =	simm.s32 @!p0 $0x108  }
0x21: {  	s3 =	sadd.s32 s3, s9;
	s6 =	sadd.s32 @!p0 $0x88, s6;
	s7 =	simm.s32 @p2 $0x1082  }
0x22: {  	[simem:s7], [sflag:s8] =	dma.local @!p0 [hbm:s6], $0xF7A  }
0x23: {  	s9 =	sor.u32 $0xD0000000, s2;
	s6 =	simm.s32 $0x108;
	_ =	swait.ge @!p0 [sflag:s8], $0x0  }
0x24: {  	s3 =	sadd.s32 $0x88, s3;
	s6 =	simm.s32 @!p1 $0x1082;
	[sflag:s4] =	ssyncset.s32 $0xFFFFF086  }
0x25: {  	[simem:s6], [sflag:s4] =	dma.local [hbm:s3], $0xF7A  }
0x26: {  	[smem:$0x3F9C] =	sst s1;
	(tag) =	ssettag s2;
	_ =	strace s9  }
0x27: {  	s1 =	sld [smem:$0x3FAC]  }
0x28: {  	s2 =	sld [smem:$0x3FAD]  }
0x29: {  	s4 =	sld [smem:$0x3FAF]  }
0x2a: {  	p0 =	seq.s32 s5, $0x0;
	s5 =	sld [smem:$0x3FB0]  }
0x2b: {  	s6 =	sld [smem:$0x3FB1]  }
0x2c: {  	s7 =	sld [smem:$0x3FB2]  }
0x2d: {  	s3 =	simm.s32 $0x108;
	s8 =	sld [smem:$0x3FB3]  }
0x2e: {  	s3 =	simm.s32 @!p0 $0x1082;
	s9 =	sld [smem:$0x3FB4]  }
0x2f: {  	lr =	sadd.s32 s0, s3;
	s0 =	sld [smem:$0x3FAB]  }
0x30: {  	s3 =	sld [smem:$0x3FAE]  }
0x31: {  	[smem:$0x3FB7] =	sst s10  }
0x32: {  	s10 =	sld [smem:$0x3FB5];
	_ =	sdelay $0x3  }
0x33: {  	p0 =	seq.s32 s10, $0x1;
	s10 =	sld [smem:$0x3FB7];
	_ =	sdelay $0x3  }
0x34: {  	[smem:$0x3FB7] =	sst s10  }
0x35: {  	s10 =	sld [smem:$0x3FB6];
	_ =	sdelay $0x3  }
0x36: {  	p1 =	seq.s32 s10, $0x1;
	s10 =	sld [smem:$0x3FB7];
	_ =	sdelay $0x3  }
0x37: {  	[smem:$0x3FB7] =	sst s10  }
0x38: {  	s10 =	sld [smem:$0x3FB8]  }
0x39: {  	_ = 	snop;
	(pc) =	sbr.ind lr, $3  }
0x3a: {  	_ = 	snop  }
0x3b: {  	_ = 	snop  }
0x3c: {  	p2 =	seq.s32 s10, $0x1;
	s10 =	sld [smem:$0x3FB7]  }
0x3d: {  	_ =	shalt  }
0x3e: {  	_ =	shalt  }
0x3f: {  	_ =	shalt  }
0x40: {  	_ =	shalt  }
0x41: {  	_ =	shalt  }
0x42: {  	_ =	shalt  }
0x43: {  	_ =	shalt  }
0x44: {  	_ =	shalt  }
0x45: {  	_ =	shalt  }
0x46: {  	_ =	shalt  }
0x47: {  	_ =	shalt  }
0x48: {  	_ =	shalt  }
0x49: {  	_ =	shalt  }
0x4a: {  	_ =	shalt  }
0x4b: {  	_ =	shalt  }
0x4c: {  	_ =	shalt  }
0x4d: {  	_ =	shalt  }
0x4e: {  	_ =	shalt  }
0x4f: {  	_ =	shalt  }
0x50: {  	_ =	shalt  }
0x51: {  	_ =	shalt  }
0x52: {  	_ =	shalt  }
0x53: {  	_ =	shalt  }
0x54: {  	_ =	shalt  }
0x55: {  	_ =	shalt  }
0x56: {  	_ =	shalt  }
0x57: {  	_ =	shalt  }
0x58: {  	_ =	shalt  }
0x59: {  	_ =	shalt  }
0x5a: {  	_ =	shalt  }
0x5b: {  	_ =	shalt  }
0x5c: {  	_ =	shalt  }
0x5d: {  	_ =	shalt  }
0x5e: {  	_ =	shalt  }
0x5f: {  	_ =	shalt  }
0x60: {  	_ =	shalt  }
0x61: {  	_ =	shalt  }
0x62: {  	_ =	shalt  }
0x63: {  	_ =	shalt  }
0x64: {  	_ =	shalt  }
0x65: {  	_ =	shalt  }
0x66: {  	_ =	shalt  }
0x67: {  	_ =	shalt  }
0x68: {  	_ =	shalt  }
0x69: {  	_ =	shalt  }
0x6a: {  	_ =	shalt  }
0x6b: {  	_ =	shalt  }
0x6c: {  	_ =	shalt  }
0x6d: {  	_ =	shalt  }
0x6e: {  	_ =	shalt  }
0x6f: {  	_ =	shalt  }
0x70: {  	_ =	shalt  }
0x71: {  	_ =	shalt  }
0x72: {  	_ =	shalt  }
0x73: {  	_ =	shalt  }
0x74: {  	_ =	shalt  }
0x75: {  	_ =	shalt  }
0x76: {  	_ =	shalt  }
0x77: {  	_ =	shalt  }
0x78: {  	_ =	shalt  }
0x79: {  	_ =	shalt  }
0x7a: {  	_ =	shalt  }
0x7b: {  	_ =	shalt  }
0x7c: {  	_ =	shalt  }
0x7d: {  	_ =	shalt  }
0x7e: {  	_ =	shalt  }
0x7f: {  	_ =	shalt  }
0x80: {  	_ =	shalt  }
0x81: {  	_ =	shalt  }
0x82: {  	_ =	shalt  }
0x83: {  	_ =	shalt  }
0x84: {  	_ =	shalt  }
0x85: {  	_ =	shalt  }
0x86: {  	_ =	shalt  }
0x87: {  	_ =	shalt  }
.Lfunc_end0:
.L_simem_size_0:
called_computation_lowered:
.L_overlay_start_0:
0x88: {  	s2 =	sld [smem:$0x3FD9]  }
0x89: {  	s3 =	sld [smem:$0x3FFE];
	_ =	sdelay $0x1  }
0x8a: {  	s1 =	srdreg.scid  }
0x8b: {  	s0 =	sand.u32 $0x1, s1  }
0x8c: {  	s17 =	sshll.u32 s0, $0xA;
	s2 =	sadd.s32 s3, s2  }
0x8d: {  	s2 =	sadd.s32 s2, s17  }
0x8e: {  	[smem:$0x3FC3] =	sst s2  }
0x8f: {  	_ = 	snop  }
0x90: {  	s2 =	sld [smem:$0x3FC8]  }
0x91: {  	s18 =	sld [smem:$0x3FD0];
	(tm) =	ssettm $0x1  }
0x92: {  	s4 =	sld [smem:$0x3FFB];
	_ =	sdelay $0x3  }
0x93: {  	_ =	strace s4  }
0x94: {  	s4 =	sld [smem:$0x3FFC];
	_ =	sdelay $0x3  }
0x95: {  	_ =	strace s4  }
0x96: {  	s4 =	sld [smem:$0x3FFD];
	_ =	sdelay $0x3  }
0x97: {  	_ =	strace s4  }
0x98: {  	_ =	strace $0x8FFFFFFF  }
0x99: {  	s19 =	sld [smem:$0x3FDB];
	_ =	sdelay $0x1  }
0x9a: {  	s5 =	simm.s32 $_scs_section_size  }
0x9b: {  	s6 =	simm.s32 $_size__tile_overlayer_lowered;
	s7 =	simm.s32 $_tile_overlayer_lowered  }
0x9c: {  	s22 =	simm.s32 $0x1BFF;
	s21 =	sshll.u32 s7, $0x1;
	s4 =	sadd.s32 s5, s19  }
0x9d: {  	s8 =	simm.s32 $0x0;
	s20 =	sshll.u32 s6, $0x1;
	s6 =	sadd.s32 s21, s4  }
0x9e: {  	[timem:s8], [sflag:s22] =	dma.local [hbm:s6], s20  }
0x9f: {  	_ =	swait.ge [sflag:s22], s20  }
0xa0: {  	s5 =	ssub.s32 $0x0, s20;
	[sflag:s22] =	ssyncset.done $0x0  }
0xa1: {  	[sflag:s22] =	ssyncadd.s32 s5;
	_ =	sdelay $0x1  }
0xa2: {  	s23 =	simm.s32 $0x1B8B  }
0xa3: {  	_ =	swait.ge [sflag:s23], $0x1  }
0xa4: {  	[sflag:s23] =	ssyncset.done $0x0  }
0xa5: {  	s25 =	simm.s32 $0x1B8E;
	s24 =	sld [smem:$0x3FFE];
	[sflag:s23] =	ssyncadd.s32 $0xFFFFFFFF  }
0xa6: {  	s26 =	simm.s32 $execute0_lowered;
	[smem:$0x3FD2] =	sst s25  }
0xa7: {  	s6 =	sshll.u32 s26, $0x1;
	_ =	strace $0x80000046;
	[dreg:$0x1] =	wrdreg $0xFFFFFFFF  }
0xa8: {  	s28 =	simm.s32 $_size_execute0_lowered;
	s4 =	sadd.s32 s4, s6;
	[dreg:$0x0] =	wrdreg $0x0  }
0xa9: {  	s6 =	sshll.u32 s28, $0x1;
	[dreg:$0x2] =	wrdreg s4  }
0xaa: {  	[dreg:$0x3] =	wrdreg s6  }
0xab: {  	[dreg:$0x4] =	wrdreg $0xC0  }
0xac: {  	_ =	task [dreg:s8], $0x5FFFF  }
0xad: {  	[dreg:$0x1] =	wrdreg $0xFFFFFFFF  }
0xae: {  	[dreg:$0x0] =	wrdreg $0x60  }
0xaf: {  	[dreg:$0x2] =	wrdreg s24  }
0xb0: {  	[dreg:$0x3] =	wrdreg s2  }
0xb1: {  	[dreg:$0x4] =	wrdreg s18  }
0xb2: {  	[dreg:$0x5] =	wrdreg $0x9  }
0xb3: {  	_ =	task.clear_ibuf [dreg:s8], $0x6FFFF;
	_ =	strace $0x90000046  }
0xb4: {  	s29 =	simm.s32 $0x9;
	_ =	strace $0x80000048  }
0xb5: {  	_ =	swait.ge [sflag:s29], $0x1  }
0xb6: {  	[sflag:s29] =	ssyncadd.s32 $0xFFFFFFFF  }
0xb7: {  	_ =	strace $0x90000048  }
0xb8: {  	_ =	sfence  }
0xb9: {  	s30 =	sld [smem:$0x0];
	_ =	sdelay $0x2  }
0xba: {  	s31 =	sshll.u32 s1, $0xD;
	s1 =	sshrl.u32 s1, $0x2  }
0xbb: {  	s3 =	sand.u32 $0x4000, s31;
	s1 =	sadd.s32 s1, s30  }
0xbc: {  	s0 =	sor.u32 s3, s0;
	s1 =	sshll.u32 s1, $0x11  }
0xbd: {  	s0 =	sor.u32 s1, s0  }
0xbe: {  	s0 =	sadd.s32 $0x8F2B, s0  }
0xbf: {  	[sflag:s0] =	ssyncadd.remote.s32 $0x1  }
0xc0: {  	_ =	sfence.sel $0xFFFF  }
0xc1: {  	[dreg:$0x0] =	wrdreg $0xFFFFFFFF;
	(pc) =	sbr.abs _section_cstart, $3  }
0xc2: {  	[dreg:$0x1] =	wrdreg $0xFFFFFFFF  }
0xc3: {  	_ =	task.clear_ibuf [dreg:s8], $0x2FFFF;
	_ =	strace $0x9FFFFFFF  }
0xc4: {  	(tm) =	ssettm $0x7FFFFFFF  }
0xc5: {  	_ =	shalt  }
tec
execute0_lowered:
.L_overlay_start_1:
0x0: {  	(tag) =	ssettag $0x1  }
0x1: {  	s0 =	rddreg [dreg:$0x0]  }
0x2: {  	s2 =	rddreg [dreg:$0x1]  }
0x3: {  	s6 =	rddreg [dreg:$0x2];
	s1 =	simm.s32 $0x0;
	s5 =	srdreg.scid  }
0x4: {  	s9 =	stileid.u32;
	s15 =	simm.s32 $0xC8;
	s16 =	simm.s32 $0x3  }
0x5: {  	s17 =	simm.s32 $0x60;
	s18 =	simm.s32 $0x190;
	s19 =	simm.s32 $0x68  }
0x6: {  	s20 =	simm.s32 $0x1F0;
	s21 =	simm.s32 $0x320;
	s28 =	simm.s32 $0x3E8  }
0x7: {  	s29 =	simm.s32 $0x448;
	s30 =	simm.s32 $0x1;
	s31 =	simm.s32 $0x2  }
0x8: {  	[smem:$0x7FF] =	sst s1;
	s3 =	sadd.s32 $0x3D600, s0;
	s4 =	sadd.s32 $0x1EC00, s0  }
0x9: {  	s7 =	sand.u32 $0x1, s5;
	s5 =	sadd.s32 $0x200, s0;
	s9 =	sshll.u32 s9, $0x1  }
0xa: {  	s0 =	sadd.s32 $0x56600, s0;
	_ =	strace $0x80000047;
	s8 =	ssub.s32 $0x2, s7  }
0xb: {  	[dreg:$0x6] =	wrdreg s0;
	s7 =	sor.u32 s7, s9;
	s22 =	sshrl.u32 s8, $0x1  }
0xc: {  	s9 =	sshll.u32 s7, $0x7;
	s10 =	sshll.u32 s7, $0x4;
	s11 =	smul.u32 $0xC80, s7  }
0xd: {  	s26 =	sshll.u32 s7, $0x5;
	s7 =	simm.s32 $0x5;
	s2 =	sadd.s32 s2, s10  }
0xe: {  	s0 =	ssub.s32 s8, s22;
	s23 =	sor.u32 $0x2, s9;
	[dreg:$0x7] =	wrdreg s2  }
0xf: {  	s25 =	sor.u32 $0x3, s9;
	s22 =	simm.s32 $0x380;
	[dreg:$0x4] =	wrdreg s23  }
0x10: {  	s24 =	sadd.s32 s3, s11;
	[dreg:$0x5] =	wrdreg s25;
	s2 =	sadd.s32 s6, s26  }
0x11: {  	s0 =	smax.u32 s0, $0x1;
	s23 =	simm.s32 $0x4;
	[dreg:$0x8] =	wrdreg s24  }
0x12: {  	v0 =	vlaneseq.u32;
	s25 =	simm.s32 $0x128;
	s26 =	simm.s32 $0x2B8;
	[dreg:$0xa] =	wrdreg s2  }
0x13: {  	v1 =	vshrl.u32 v0, $0x1;
	s6 =	simm.s32 $0x0;
	s8 =	sadd.s32 $0x19, s24;
	[dreg:$0xb] =	wrdreg s0  }
0x14: {  	vm0 =	vmmov $0xff;
	v2 =	vand.u32 $0x1, v0;
	v1 =	vmul.u32 $0x10, v1;
	s24 =	simm.s32 $0x258;
	s0 =	simm.s32 $0x550;
	[dreg:$0x9] =	wrdreg s8  }
.LBB2_1:
0x15: {  	[dreg:$0xc] =	wrdreg s6  }
0x16: {  	s2 =	rddreg [dreg:$0x7];
	s12 =	simm.s32 $0x4B0  }
0x17: {  	[tilespmem:s12], [sflag:$0x5] =	stream.linear.gather [hbm4b:s2+s1], $0x80, $0x38;
	[tilespmem:$0xE50] =	vst v63  }
0x18: {  	_ =	swait.ge [sflag:s7], $0x80  }
0x19: {  	[sflag:s7] =	ssyncset.done $0x0  }
0x1a: {  	s14 =	simm.s32 $0x540;
	s13 =	rddreg [dreg:$0x6];
	[sflag:s7] =	ssyncadd.s32 $0xFFFFFF80  }
0x1b: {  	[tilespmem:s14], [sflag:$0x5] =	stream.linear.gather [hbm4b:s13+s1], $0x10, $0x38;
	[tilespmem:$0xE50] =	vst v63  }
0x1c: {  	_ =	swait.ge [sflag:s7], $0x10  }
0x1d: {  	[sflag:s7] =	ssyncset.done $0x0  }
0x1e: {  	[sflag:s7] =	ssyncadd.s32 $0xFFFFFFF0  }
0x1f: {  	v3 =	vld [tilespmem:$0x540];
	_ =	sdelay $0x4  }
0x20: {  	(v2sf) =	vpush v3, $0x0  }
0x21: {  	(v2sf) =	vpush v3, $0x1;
	_ =	sdelay $0x9  }
0x22: {  	s7 =	rddreg [dreg:$0x8]  }
0x23: {  	[tilespmem:s1], [sflag:$0x3] =	stream.linear.gather [hbm4b:s7+s1], $0xC8, $0x38;
	[tilespmem:$0xE50] =	vst v63  }
0x24: {  	s8 =	rddreg [dreg:$0x9]  }
0x25: {  	[tilespmem:s15], [sflag:$0x4] =	stream.linear.gather [hbm4b:s8+s1], $0xC8, $0x38;
	[tilespmem:$0xE50] =	vst v63  }
0x26: {  	s14 =	spop (v2sf)  }
0x27: {  	s2 =	spop (v2sf)  }
0x28: {  	_ =	swait.ge [sflag:s16], $0xC8  }
0x29: {  	[sflag:s16] =	ssyncset.done $0x0  }
0x2a: {  	[sflag:s16] =	ssyncadd.s32 $0xFFFFFF38  }
0x2b: {  	[tilespmem:s18], [sflag:$0x1] =	stream.indirect.gather [hbm4b:s4+s17], $0x1, s1, s17, $0xb8;
	[tilespmem:$0xE50] =	vst v63  }
0x2c: {  	_ = 	snop  }
0x2d: {  	[tilespmem:s20], [sflag:$0x1] =	stream.indirect.gather [hbm4b:s4+s19], $0x1, s17, s19, $0xb8;
	[tilespmem:$0xE50] =	vst v63  }
0x2e: {  	_ = 	snop  }
0x2f: {  	[tilespmem:s21], [sflag:$0x1] =	stream.indirect.gather [hbm4b:s5+s17], $0x1, s1, s17, $0xb8;
	[tilespmem:$0xE50] =	vst v63  }
0x30: {  	_ = 	snop  }
0x31: {  	[tilespmem:s22], [sflag:$0x1] =	stream.indirect.gather [hbm4b:s5+s19], $0x1, s17, s19, $0xb8;
	[tilespmem:$0xE50] =	vst v63  }
0x32: {  	_ =	swait.ge [sflag:s23], $0xC8  }
0x33: {  	[sflag:s23] =	ssyncset.done $0x0  }
0x34: {  	[sflag:s23] =	ssyncadd.s32 $0xFFFFFF38  }
0x35: {  	[tilespmem:s24], [sflag:$0x2] =	stream.indirect.gather [hbm4b:s4+s17], $0x1, s15, s17, $0xb8;
	[tilespmem:$0xE50] =	vst v63  }
0x36: {  	_ = 	snop  }
0x37: {  	[tilespmem:s26], [sflag:$0x2] =	stream.indirect.gather [hbm4b:s4+s19], $0x1, s25, s19, $0xb8;
	[tilespmem:$0xE50] =	vst v63  }
0x38: {  	_ = 	snop  }
0x39: {  	[tilespmem:s28], [sflag:$0x2] =	stream.indirect.gather [hbm4b:s5+s17], $0x1, s15, s17, $0xb8;
	[tilespmem:$0xE50] =	vst v63  }
0x3a: {  	_ = 	snop  }
0x3b: {  	[tilespmem:s29], [sflag:$0x2] =	stream.indirect.gather [hbm4b:s5+s19], $0x1, s25, s19, $0xb8;
	[tilespmem:$0xE50] =	vst v63  }
0x3c: {  	_ =	swait.ge [sflag:s30], $0x60  }
0x3d: {  	[sflag:s30] =	ssyncset.done $0x0  }
0x3e: {  	[sflag:s30] =	ssyncadd.s32 $0xFFFFFFA0  }
0x3f: {  	_ =	swait.ge [sflag:s30], $0x68  }
0x40: {  	[sflag:s30] =	ssyncset.done $0x0  }
0x41: {  	[sflag:s30] =	ssyncadd.s32 $0xFFFFFF98  }
0x42: {  	_ =	swait.ge [sflag:s30], $0x60  }
0x43: {  	[sflag:s30] =	ssyncset.done $0x0  }
0x44: {  	[sflag:s30] =	ssyncadd.s32 $0xFFFFFFA0  }
0x45: {  	_ =	swait.ge [sflag:s30], $0x68  }
0x46: {  	s10 =	smin.u32 s1, $0x7D;
	s9 =	rddreg [dreg:$0x4]  }
0x47: {  	s6 =	sadd.s32 s10, s9  }
0x48: {  	s6 =	smul.u32 $0x19, s6  }
0x49: {  	[sflag:s30] =	ssyncset.done $0x0  }
0x4a: {  	[sflag:s30] =	ssyncadd.s32 $0xFFFFFF98;
	s6 =	sadd.s32 s3, s6  }
0x4b: {  	[tilespmem:s1], [sflag:$0x3] =	stream.linear.gather [hbm4b:s6+s1], $0xC8, $0x38;
	[tilespmem:$0xE50] =	vst v63  }
0x4c: {  	v3 =	vld [tilespmem:$0x320]  }
0x4d: {  	v4 =	vld [tilespmem:$0x1A0]  }
0x4e: {  	v5 =	vld [tilespmem:$0x190]  }
0x4f: {  	v6 =	vld [tilespmem:$0x330]  }
0x50: {  	v7 =	vld [tilespmem:$0x340]  }
0x51: {  	v8 =	vld [tilespmem:$0x350]  }
0x52: {  	v9 =	vld [tilespmem:$0x1B0];
	v3 =	vadd.f32 $0.0e+00, v3  }
0x53: {  	v10 =	vld [tilespmem:$0x360];
	v5 =	vadd.f32 $0.0e+00, v5  }
0x54: {  	v3 =	vadd.f32 v6, v3;
	v6 =	vld [tilespmem:$0x1C0]  }
0x55: {  	v4 =	vadd.f32 v4, v5;
	v5 =	vld [tilespmem:$0x370]  }
0x56: {  	v3 =	vadd.f32 v7, v3;
	v7 =	vld [tilespmem:$0x1D0]  }
0x57: {  	v4 =	vadd.f32 v9, v4;
	v9 =	vld [tilespmem:$0x380]  }
0x58: {  	v3 =	vadd.f32 v8, v3;
	v8 =	vld [tilespmem:$0x1E0]  }
0x59: {  	v4 =	vadd.f32 v6, v4;
	v6 =	vld [tilespmem:$0x390]  }
0x5a: {  	v3 =	vadd.f32 v10, v3;
	v10 =	vld [tilespmem:$0x1F0]  }
0x5b: {  	v4 =	vadd.f32 v7, v4;
	v7 =	vld [tilespmem:$0x3A0]  }
0x5c: {  	v3 =	vadd.f32 v5, v3;
	v5 =	vld [tilespmem:$0x200]  }
0x5d: {  	v4 =	vadd.f32 v8, v4;
	v8 =	vld [tilespmem:$0x3B0]  }
0x5e: {  	v3 =	vadd.f32 v9, v3;
	v9 =	vld [tilespmem:$0x210]  }
0x5f: {  	v4 =	vadd.f32 v10, v4;
	v10 =	vld [tilespmem:$0x3C0]  }
0x60: {  	v3 =	vadd.f32 v6, v3;
	v6 =	vld [tilespmem:$0x220]  }
0x61: {  	v4 =	vadd.f32 v5, v4;
	v5 =	vld [tilespmem:$0x3D0]  }
0x62: {  	v3 =	vadd.f32 v7, v3;
	v7 =	vld [tilespmem:$0x230]  }
0x63: {  	v4 =	vadd.f32 v9, v4;
	v9 =	vld [tilespmem:$0x3D8]  }
0x64: {  	v3 =	vadd.f32 v8, v3;
	v8 =	vld [tilespmem:$0x240]  }
0x65: {  	v4 =	vadd.f32 v6, v4;
	v6 =	vld [tilespmem:$0x248]  }
0x66: {  	s6 =	simm.s32 $0x4B1;
	v3 =	vadd.f32 v10, v3  }
0x67: {  	v10 =	vld [tilespmem:s6+$0xFFFFFFFF];
	v4 =	vadd.f32 v7, v4  }
0x68: {  	v3 =	vadd.f32 v5, v3  }
0x69: {  	v5 =	vsel vm0, $0x0, v9;
	v4 =	vadd.f32 v8, v4  }
0x6a: {  	v3 =	vadd.f32 v5, v3;
	v5 =	vsel vm0, $0x0, v6  }
0x6b: {  	v4 =	vadd.f32 v5, v4  }
0x6c: {  	(erf) = vrcp.f32 v10;
	(xrf2) =	vadd.scan.msk.f32 $0xffff, v3  }
0x6d: {  	(xrf2) =	vadd.scan.msk.f32 $0xffff, v4;
	_ =	sdelay $0x7  }
0x6e: {  	v3 =	vpop (erf)  }
0x6f: {  	(v2sf) =	vpush v3, $0x0;
	v4, _, _ =	vpop (xrf2)  }
0x70: {  	v3, _, _ =	vpop (xrf2);
	(v2sf) =	vpush v4, $0xF  }
0x71: {  	(v2sf) =	vpush v3, $0xF;
	_ =	sdelay $0xc  }
0x72: {  	s11 =	spop (v2sf)  }
0x73: {  	s9 =	spop (v2sf)  }
0x74: {  	s9 =	smul.f32 s9, s11;
	s10 =	spop (v2sf)  }
0x75: {  	s7 =	smul.f32 s10, s11  }
0x76: {  	s9 =	sadd.f32 s9, s2  }
0x77: {  	s7 =	sadd.f32 s7, s14  }
0x78: {  	vm1 =	veq.s32 v0, $0x0;
	v3 =	vmov s9  }
0x79: {  	v3 =	vsel vm1, s7, v3  }
0x7a: {  	v3 =	vsub.f32 $0.0e+00, v3;
	_ =	sdelay $0x1  }
0x7b: {  	v3 =	vmul.f32 $1.442695020e+00, v3;
	_ =	sdelay $0x1  }
0x7c: {  	(erf) = vpow2.f32 v3;
	_ =	sdelay $0x8  }
0x7d: {  	v3 =	vpop (erf)  }
0x7e: {  	v3 =	vadd.f32 $1.000000000e+00, v3;
	_ =	sdelay $0x1  }
0x7f: {  	(erf) = vrcp.f32 v3;
	_ =	sdelay $0x8  }
0x80: {  	s7 =	simm.s32 $0x560;
	v3 =	vpop (erf)  }
0x81: {  	[tilespmem:s7+$0xFFFFFFF0] =	vst v3  }
0x82: {  	_ =	swait.ge [sflag:s31], $0x60  }
0x83: {  	[sflag:s31] =	ssyncset.done $0x0  }
0x84: {  	[sflag:s31] =	ssyncadd.s32 $0xFFFFFFA0  }
0x85: {  	_ =	swait.ge [sflag:s31], $0x68  }
0x86: {  	[sflag:s31] =	ssyncset.done $0x0  }
0x87: {  	[sflag:s31] =	ssyncadd.s32 $0xFFFFFF98  }
0x88: {  	_ =	swait.ge [sflag:s31], $0x60  }
0x89: {  	[sflag:s31] =	ssyncset.done $0x0  }
0x8a: {  	[sflag:s31] =	ssyncadd.s32 $0xFFFFFFA0  }
0x8b: {  	_ =	swait.ge [sflag:s31], $0x68  }
0x8c: {  	s13 =	smin.u32 s1, $0x7C;
	s12 =	rddreg [dreg:$0x5]  }
0x8d: {  	s9 =	sadd.s32 s13, s12  }
0x8e: {  	s9 =	smul.u32 $0x19, s9  }
0x8f: {  	[sflag:s31] =	ssyncset.done $0x0  }
0x90: {  	[sflag:s31] =	ssyncadd.s32 $0xFFFFFF98;
	s9 =	sadd.s32 s3, s9  }
0x91: {  	[tilespmem:s15], [sflag:$0x4] =	stream.linear.gather [hbm4b:s9+s1], $0xC8, $0x38;
	[tilespmem:$0xE50] =	vst v63  }
0x92: {  	_ =	swait.ge [sflag:s16], $0xC8  }
0x93: {  	[sflag:s16] =	ssyncset.done $0x0  }
0x94: {  	[sflag:s16] =	ssyncadd.s32 $0xFFFFFF38  }
0x95: {  	[tilespmem:s18], [sflag:$0x1] =	stream.indirect.gather [hbm4b:s4+s17], $0x1, s1, s17, $0xb8;
	[tilespmem:$0xE50] =	vst v63  }
0x96: {  	_ = 	snop  }
0x97: {  	[tilespmem:s20], [sflag:$0x1] =	stream.indirect.gather [hbm4b:s4+s19], $0x1, s17, s19, $0xb8;
	[tilespmem:$0xE50] =	vst v63  }
0x98: {  	_ = 	snop  }
0x99: {  	[tilespmem:s21], [sflag:$0x1] =	stream.indirect.gather [hbm4b:s5+s17], $0x1, s1, s17, $0xb8;
	[tilespmem:$0xE50] =	vst v63  }
0x9a: {  	_ = 	snop  }
0x9b: {  	[tilespmem:s22], [sflag:$0x1] =	stream.indirect.gather [hbm4b:s5+s19], $0x1, s17, s19, $0xb8;
	[tilespmem:$0xE50] =	vst v63  }
0x9c: {  	v3 =	vld [tilespmem:$0x3E8]  }
0x9d: {  	v4 =	vld [tilespmem:$0x258]  }
0x9e: {  	v5 =	vld [tilespmem:$0x3F8]  }
0x9f: {  	v6 =	vld [tilespmem:$0x268]  }
0xa0: {  	v7 =	vld [tilespmem:$0x408]  }
0xa1: {  	v8 =	vld [tilespmem:$0x278];
	v3 =	vadd.f32 $0.0e+00, v3  }
0xa2: {  	v9 =	vld [tilespmem:$0x418]  }
0xa3: {  	v10 =	vld [tilespmem:$0x428];
	v4 =	vadd.f32 $0.0e+00, v4;
	v3 =	vadd.f32 v5, v3  }
0xa4: {  	v5 =	vld [tilespmem:$0x288]  }
0xa5: {  	v4 =	vadd.f32 v6, v4;
	v6 =	vld [tilespmem:$0x298];
	v3 =	vadd.f32 v7, v3  }
0xa6: {  	v7 =	vld [tilespmem:$0x438]  }
0xa7: {  	v4 =	vadd.f32 v8, v4;
	v8 =	vld [tilespmem:$0x2A8];
	v3 =	vadd.f32 v9, v3  }
0xa8: {  	v9 =	vld [tilespmem:$0x448]  }
0xa9: {  	v4 =	vadd.f32 v5, v4;
	v5 =	vld [tilespmem:$0x2B8];
	v3 =	vadd.f32 v10, v3  }
0xaa: {  	v10 =	vld [tilespmem:$0x458]  }
0xab: {  	v4 =	vadd.f32 v6, v4;
	v6 =	vld [tilespmem:$0x2C8];
	v3 =	vadd.f32 v7, v3  }
0xac: {  	v7 =	vld [tilespmem:$0x468]  }
0xad: {  	v4 =	vadd.f32 v8, v4;
	v8 =	vld [tilespmem:$0x2D8];
	v3 =	vadd.f32 v9, v3  }
0xae: {  	v9 =	vld [tilespmem:$0x478]  }
0xaf: {  	v11 =	vld [tilespmem:$0x488];
	v4 =	vadd.f32 v5, v4;
	v3 =	vadd.f32 v10, v3  }
0xb0: {  	v10 =	vld [tilespmem:$0x2E8]  }
0xb1: {  	v5 =	vadd.f32 v6, v4;
	v4 =	vld [tilespmem:$0x2F8];
	v6 =	vadd.f32 v7, v3  }
0xb2: {  	v3 =	vld [tilespmem:$0x498]  }
0xb3: {  	v7 =	vadd.f32 v8, v5;
	v9 =	vadd.f32 v9, v6;
	v6 =	vld [tilespmem:$0x4A0]  }
0xb4: {  	v5 =	vld [tilespmem:$0x308]  }
0xb5: {  	s10 =	simm.s32 $0x2;
	s9 =	simm.s32 $0x560;
	v8 =	vadd.f32 v10, v7;
	v7 =	vld [tilespmem:$0x310];
	v9 =	vadd.f32 v11, v9  }
.LBB2_2:
0xb6: {  	_ = 	snop  }
0xb7: {  	v10 =	vld [tilespmem:s6+$0x0];
	v3 =	vadd.f32 v3, v9;
	v4 =	vadd.f32 v4, v8  }
0xb8: {  	v6 =	vsel vm0, $0x0, v6  }
0xb9: {  	v3 =	vadd.f32 v6, v3;
	v4 =	vadd.f32 v5, v4  }
0xba: {  	v5 =	vsel vm0, $0x0, v7  }
0xbb: {  	(xrf2) =	vadd.scan.msk.f32 $0xffff, v3;
	v3 =	vadd.f32 v5, v4  }
0xbc: {  	(erf) = vrcp.f32 v10  }
0xbd: {  	(xrf2) =	vadd.scan.msk.f32 $0xffff, v3;
	_ =	sdelay $0x7  }
0xbe: {  	v3 =	vpop (erf)  }
0xbf: {  	(v2sf) =	vpush v3, $0x0;
	v3, _, _ =	vpop (xrf2)  }
0xc0: {  	(v2sf) =	vpush v3, $0xF;
	v3, _, _ =	vpop (xrf2)  }
0xc1: {  	(v2sf) =	vpush v3, $0xF;
	_ =	sdelay $0xc  }
0xc2: {  	s8 =	spop (v2sf)  }
0xc3: {  	s13 =	spop (v2sf)  }
0xc4: {  	s13 =	smul.f32 s13, s8;
	s12 =	spop (v2sf)  }
0xc5: {  	s8 =	smul.f32 s12, s8  }
0xc6: {  	s13 =	sadd.f32 s13, s2  }
0xc7: {  	s8 =	sadd.f32 s8, s14  }
0xc8: {  	v3 =	vmov s13  }
0xc9: {  	v3 =	vsel vm1, s8, v3  }
0xca: {  	v3 =	vsub.f32 $0.0e+00, v3;
	_ =	sdelay $0x1  }
0xcb: {  	v3 =	vmul.f32 $1.442695020e+00, v3;
	_ =	sdelay $0x1  }
0xcc: {  	(erf) = vpow2.f32 v3;
	_ =	sdelay $0x8  }
0xcd: {  	v3 =	vpop (erf)  }
0xce: {  	v3 =	vadd.f32 $1.000000000e+00, v3;
	_ =	sdelay $0x1  }
0xcf: {  	(erf) = vrcp.f32 v3;
	_ =	sdelay $0x8  }
0xd0: {  	v3 =	vpop (erf)  }
0xd1: {  	[tilespmem:s9+$0x0] =	vst v3  }
0xd2: {  	_ =	swait.ge [sflag:s23], $0xC8  }
0xd3: {  	[sflag:s23] =	ssyncset.done $0x0  }
0xd4: {  	[sflag:s23] =	ssyncadd.s32 $0xFFFFFF38  }
0xd5: {  	[tilespmem:s24], [sflag:$0x2] =	stream.indirect.gather [hbm4b:s4+s17], $0x1, s15, s17, $0xb8;
	[tilespmem:$0xE50] =	vst v63  }
0xd6: {  	_ = 	snop  }
0xd7: {  	[tilespmem:s26], [sflag:$0x2] =	stream.indirect.gather [hbm4b:s4+s19], $0x1, s25, s19, $0xb8;
	[tilespmem:$0xE50] =	vst v63  }
0xd8: {  	_ = 	snop  }
0xd9: {  	[tilespmem:s28], [sflag:$0x2] =	stream.indirect.gather [hbm4b:s5+s17], $0x1, s15, s17, $0xb8;
	[tilespmem:$0xE50] =	vst v63  }
0xda: {  	_ = 	snop  }
0xdb: {  	[tilespmem:s29], [sflag:$0x2] =	stream.indirect.gather [hbm4b:s5+s19], $0x1, s25, s19, $0xb8;
	[tilespmem:$0xE50] =	vst v63  }
0xdc: {  	_ =	swait.ge [sflag:s30], $0x60  }
0xdd: {  	[sflag:s30] =	ssyncset.done $0x0  }
0xde: {  	[sflag:s30] =	ssyncadd.s32 $0xFFFFFFA0  }
0xdf: {  	_ =	swait.ge [sflag:s30], $0x68  }
0xe0: {  	[sflag:s30] =	ssyncset.done $0x0  }
0xe1: {  	[sflag:s30] =	ssyncadd.s32 $0xFFFFFF98  }
0xe2: {  	_ =	swait.ge [sflag:s30], $0x60  }
0xe3: {  	[sflag:s30] =	ssyncset.done $0x0  }
0xe4: {  	[sflag:s30] =	ssyncadd.s32 $0xFFFFFFA0  }
0xe5: {  	s11 =	smov.u32 s10;
	_ =	swait.ge [sflag:s30], $0x68  }
0xe6: {  	s13 =	smin.u32 s11, $0x7D;
	s12 =	rddreg [dreg:$0x4]  }
0xe7: {  	s8 =	sadd.s32 s13, s12  }
0xe8: {  	s8 =	smul.u32 $0x19, s8  }
0xe9: {  	[sflag:s30] =	ssyncset.done $0x0  }
0xea: {  	[sflag:s30] =	ssyncadd.s32 $0xFFFFFF98;
	s8 =	sadd.s32 s3, s8  }
0xeb: {  	[tilespmem:s1], [sflag:$0x3] =	stream.linear.gather [hbm4b:s8+s1], $0xC8, $0x38;
	[tilespmem:$0xE50] =	vst v63  }
0xec: {  	v3 =	vld [tilespmem:$0x320]  }
0xed: {  	v5 =	vld [tilespmem:$0x330]  }
0xee: {  	v6 =	vld [tilespmem:$0x190]  }
0xef: {  	v4 =	vld [tilespmem:$0x1A0]  }
0xf0: {  	v7 =	vld [tilespmem:$0x340]  }
0xf1: {  	v8 =	vld [tilespmem:$0x350];
	v3 =	vadd.f32 $0.0e+00, v3  }
0xf2: {  	v9 =	vld [tilespmem:$0x1B0]  }
0xf3: {  	v10 =	vld [tilespmem:$0x1C0];
	v6 =	vadd.f32 $0.0e+00, v6;
	v3 =	vadd.f32 v5, v3  }
0xf4: {  	v5 =	vld [tilespmem:$0x360]  }
0xf5: {  	v4 =	vadd.f32 v4, v6;
	v6 =	vld [tilespmem:$0x1D0];
	v3 =	vadd.f32 v7, v3  }
0xf6: {  	v7 =	vld [tilespmem:$0x370]  }
0xf7: {  	v4 =	vadd.f32 v9, v4;
	v9 =	vld [tilespmem:$0x1E0];
	v3 =	vadd.f32 v8, v3  }
0xf8: {  	v8 =	vld [tilespmem:$0x380]  }
0xf9: {  	v4 =	vadd.f32 v10, v4;
	v10 =	vld [tilespmem:$0x1F0];
	v3 =	vadd.f32 v5, v3  }
0xfa: {  	v5 =	vld [tilespmem:$0x390]  }
0xfb: {  	v4 =	vadd.f32 v6, v4;
	v6 =	vld [tilespmem:$0x200];
	v3 =	vadd.f32 v7, v3  }
0xfc: {  	v7 =	vld [tilespmem:$0x3A0]  }
0xfd: {  	v4 =	vadd.f32 v9, v4;
	v9 =	vld [tilespmem:$0x210];
	v3 =	vadd.f32 v8, v3  }
0xfe: {  	v8 =	vld [tilespmem:$0x3B0]  }
0xff: {  	v4 =	vadd.f32 v10, v4;
	v10 =	vld [tilespmem:$0x220];
	v3 =	vadd.f32 v5, v3  }
0x100: {  	v5 =	vld [tilespmem:$0x3C0]  }
0x101: {  	v4 =	vadd.f32 v6, v4;
	v6 =	vld [tilespmem:$0x230];
	v3 =	vadd.f32 v7, v3  }
0x102: {  	v7 =	vld [tilespmem:$0x3D0]  }
0x103: {  	v4 =	vadd.f32 v9, v4;
	v3 =	vadd.f32 v8, v3;
	v8 =	vld [tilespmem:$0x3D8]  }
0x104: {  	v9 =	vld [tilespmem:$0x240]  }
0x105: {  	v4 =	vadd.f32 v10, v4;
	v3 =	vadd.f32 v5, v3;
	v5 =	vld [tilespmem:$0x248]  }
0x106: {  	s6 =	sadd.s32 $0x2, s6  }
0x107: {  	v10 =	vld [tilespmem:s6+$0xFFFFFFFF];
	v4 =	vadd.f32 v6, v4;
	v3 =	vadd.f32 v7, v3  }
0x108: {  	v6 =	vsel vm0, $0x0, v8  }
0x109: {  	v4 =	vadd.f32 v9, v4;
	v3 =	vadd.f32 v6, v3  }
0x10a: {  	v5 =	vsel vm0, $0x0, v5  }
0x10b: {  	(xrf2) =	vadd.scan.msk.f32 $0xffff, v3;
	v3 =	vadd.f32 v5, v4  }
0x10c: {  	(erf) = vrcp.f32 v10  }
0x10d: {  	(xrf2) =	vadd.scan.msk.f32 $0xffff, v3;
	_ =	sdelay $0x7  }
0x10e: {  	v3 =	vpop (erf)  }
0x10f: {  	(v2sf) =	vpush v3, $0x0;
	v4, _, _ =	vpop (xrf2)  }
0x110: {  	(v2sf) =	vpush v4, $0xF;
	v3, _, _ =	vpop (xrf2)  }
0x111: {  	(v2sf) =	vpush v3, $0xF;
	_ =	sdelay $0xc  }
0x112: {  	s8 =	spop (v2sf)  }
0x113: {  	s13 =	spop (v2sf)  }
0x114: {  	s12 =	smul.f32 s13, s8;
	s13 =	spop (v2sf)  }
0x115: {  	s8 =	smul.f32 s13, s8  }
0x116: {  	s12 =	sadd.f32 s12, s2  }
0x117: {  	s8 =	sadd.f32 s8, s14  }
0x118: {  	v3 =	vmov s12  }
0x119: {  	v3 =	vsel vm1, s8, v3  }
0x11a: {  	v3 =	vsub.f32 $0.0e+00, v3;
	_ =	sdelay $0x1  }
0x11b: {  	v3 =	vmul.f32 $1.442695020e+00, v3;
	_ =	sdelay $0x1  }
0x11c: {  	(erf) = vpow2.f32 v3;
	_ =	sdelay $0x8  }
0x11d: {  	v3 =	vpop (erf)  }
0x11e: {  	v3 =	vadd.f32 $1.000000000e+00, v3;
	_ =	sdelay $0x1  }
0x11f: {  	(erf) = vrcp.f32 v3;
	_ =	sdelay $0x8  }
0x120: {  	s7 =	sadd.s32 $0x20, s7;
	v3 =	vpop (erf)  }
0x121: {  	[tilespmem:s7+$0xFFFFFFF0] =	vst v3  }
0x122: {  	_ =	swait.ge [sflag:s31], $0x60  }
0x123: {  	[sflag:s31] =	ssyncset.done $0x0  }
0x124: {  	[sflag:s31] =	ssyncadd.s32 $0xFFFFFFA0  }
0x125: {  	_ =	swait.ge [sflag:s31], $0x68  }
0x126: {  	[sflag:s31] =	ssyncset.done $0x0  }
0x127: {  	[sflag:s31] =	ssyncadd.s32 $0xFFFFFF98  }
0x128: {  	_ =	swait.ge [sflag:s31], $0x60  }
0x129: {  	[sflag:s31] =	ssyncset.done $0x0  }
0x12a: {  	[sflag:s31] =	ssyncadd.s32 $0xFFFFFFA0  }
0x12b: {  	_ =	swait.ge [sflag:s31], $0x68  }
0x12c: {  	s11 =	smin.u32 s11, $0x7C;
	s13 =	rddreg [dreg:$0x5]  }
0x12d: {  	s8 =	sadd.s32 s11, s13  }
0x12e: {  	s8 =	smul.u32 $0x19, s8  }
0x12f: {  	[sflag:s31] =	ssyncset.done $0x0  }
0x130: {  	[sflag:s31] =	ssyncadd.s32 $0xFFFFFF98;
	s8 =	sadd.s32 s3, s8  }
0x131: {  	[tilespmem:s15], [sflag:$0x4] =	stream.linear.gather [hbm4b:s8+s1], $0xC8, $0x38;
	[tilespmem:$0xE50] =	vst v63  }
0x132: {  	_ =	swait.ge [sflag:s16], $0xC8  }
0x133: {  	[sflag:s16] =	ssyncset.done $0x0  }
0x134: {  	[sflag:s16] =	ssyncadd.s32 $0xFFFFFF38  }
0x135: {  	[tilespmem:s18], [sflag:$0x1] =	stream.indirect.gather [hbm4b:s4+s17], $0x1, s1, s17, $0xb8;
	[tilespmem:$0xE50] =	vst v63  }
0x136: {  	_ = 	snop  }
0x137: {  	[tilespmem:s20], [sflag:$0x1] =	stream.indirect.gather [hbm4b:s4+s19], $0x1, s17, s19, $0xb8;
	[tilespmem:$0xE50] =	vst v63  }
0x138: {  	_ = 	snop  }
0x139: {  	[tilespmem:s21], [sflag:$0x1] =	stream.indirect.gather [hbm4b:s5+s17], $0x1, s1, s17, $0xb8;
	[tilespmem:$0xE50] =	vst v63  }
0x13a: {  	_ = 	snop  }
0x13b: {  	[tilespmem:s22], [sflag:$0x1] =	stream.indirect.gather [hbm4b:s5+s19], $0x1, s17, s19, $0xb8;
	[tilespmem:$0xE50] =	vst v63  }
0x13c: {  	v3 =	vld [tilespmem:$0x3E8]  }
0x13d: {  	v4 =	vld [tilespmem:$0x258]  }
0x13e: {  	v5 =	vld [tilespmem:$0x3F8]  }
0x13f: {  	v6 =	vld [tilespmem:$0x268]  }
0x140: {  	v7 =	vld [tilespmem:$0x408]  }
0x141: {  	v8 =	vld [tilespmem:$0x278];
	v3 =	vadd.f32 $0.0e+00, v3  }
0x142: {  	v9 =	vld [tilespmem:$0x418];
	v4 =	vadd.f32 $0.0e+00, v4  }
0x143: {  	v3 =	vadd.f32 v5, v3;
	v5 =	vld [tilespmem:$0x288]  }
0x144: {  	v4 =	vadd.f32 v6, v4;
	v6 =	vld [tilespmem:$0x428]  }
0x145: {  	v3 =	vadd.f32 v7, v3;
	v7 =	vld [tilespmem:$0x298]  }
0x146: {  	v4 =	vadd.f32 v8, v4;
	v8 =	vld [tilespmem:$0x438]  }
0x147: {  	v3 =	vadd.f32 v9, v3;
	v9 =	vld [tilespmem:$0x2A8]  }
0x148: {  	v4 =	vadd.f32 v5, v4;
	v5 =	vld [tilespmem:$0x448]  }
0x149: {  	v3 =	vadd.f32 v6, v3;
	v6 =	vld [tilespmem:$0x2B8]  }
0x14a: {  	v4 =	vadd.f32 v7, v4;
	v7 =	vld [tilespmem:$0x458]  }
0x14b: {  	v3 =	vadd.f32 v8, v3;
	v8 =	vld [tilespmem:$0x2C8]  }
0x14c: {  	v4 =	vadd.f32 v9, v4;
	v9 =	vld [tilespmem:$0x468]  }
0x14d: {  	v3 =	vadd.f32 v5, v3;
	v5 =	vld [tilespmem:$0x2D8]  }
0x14e: {  	v4 =	vadd.f32 v6, v4;
	v6 =	vld [tilespmem:$0x478]  }
0x14f: {  	v3 =	vadd.f32 v7, v3;
	v7 =	vld [tilespmem:$0x2E8]  }
0x150: {  	p0 =	sne.s32 s10, $0x7E;
	v10 =	vld [tilespmem:$0x488];
	v4 =	vadd.f32 v8, v4  }
.Ltmp0:
0x151: {  	v8 =	vadd.f32 v9, v3;
	v3 =	vld [tilespmem:$0x498];
	(pc) =	sbr.rel @p0 .LBB2_2-.Ltmp0, $4  }
0x152: {  	v5 =	vadd.f32 v5, v4;
	v4 =	vld [tilespmem:$0x2F8]  }
0x153: {  	v9 =	vadd.f32 v6, v8;
	v6 =	vld [tilespmem:$0x4A0]  }
0x154: {  	v8 =	vadd.f32 v7, v5;
	v5 =	vld [tilespmem:$0x308]  }
0x155: {  	s10 =	sadd.s32 $0x2, s10;
	s9 =	smov.u32 s7;
	v7 =	vld [tilespmem:$0x310];
	v9 =	vadd.f32 v10, v9  }
0x156: {  	_ = 	snop  }
0x157: {  	v10 =	vld [tilespmem:s6+$0x0];
	v4 =	vadd.f32 v4, v8  }
0x158: {  	v3 =	vadd.f32 v3, v9  }
0x159: {  	v6 =	vsel vm0, $0x0, v6;
	v4 =	vadd.f32 v5, v4  }
0x15a: {  	v3 =	vadd.f32 v6, v3;
	v5 =	vsel vm0, $0x0, v7  }
0x15b: {  	v4 =	vadd.f32 v5, v4  }
0x15c: {  	(erf) = vrcp.f32 v10;
	(xrf2) =	vadd.scan.msk.f32 $0xffff, v3  }
0x15d: {  	(xrf2) =	vadd.scan.msk.f32 $0xffff, v4;
	_ =	sdelay $0x7  }
0x15e: {  	v3 =	vpop (erf)  }
0x15f: {  	(v2sf) =	vpush v3, $0x0;
	v3, _, _ =	vpop (xrf2)  }
0x160: {  	(v2sf) =	vpush v3, $0xF;
	v3, _, _ =	vpop (xrf2)  }
0x161: {  	(v2sf) =	vpush v3, $0xF;
	_ =	sdelay $0xc  }
0x162: {  	s11 =	spop (v2sf)  }
0x163: {  	s7 =	spop (v2sf)  }
0x164: {  	s7 =	smul.f32 s7, s11;
	s8 =	spop (v2sf)  }
0x165: {  	s6 =	smul.f32 s8, s11  }
0x166: {  	s2 =	sadd.f32 s7, s2  }
0x167: {  	s6 =	sadd.f32 s6, s14  }
0x168: {  	v3 =	vmov s2  }
0x169: {  	v3 =	vsel vm1, s6, v3  }
0x16a: {  	v3 =	vsub.f32 $0.0e+00, v3;
	_ =	sdelay $0x1  }
0x16b: {  	v3 =	vmul.f32 $1.442695020e+00, v3;
	_ =	sdelay $0x1  }
0x16c: {  	(erf) = vpow2.f32 v3;
	_ =	sdelay $0x8  }
0x16d: {  	v3 =	vpop (erf)  }
0x16e: {  	v3 =	vadd.f32 $1.000000000e+00, v3;
	_ =	sdelay $0x1  }
0x16f: {  	(erf) = vrcp.f32 v3;
	_ =	sdelay $0x8  }
0x170: {  	v3 =	vpop (erf)  }
0x171: {  	[tilespmem:s9+$0x0] =	vst v3  }
0x172: {  	_ =	swait.ge [sflag:s23], $0xC8  }
0x173: {  	[sflag:s23] =	ssyncset.done $0x0  }
0x174: {  	[sflag:s23] =	ssyncadd.s32 $0xFFFFFF38  }
0x175: {  	[tilespmem:s24], [sflag:$0x2] =	stream.indirect.gather [hbm4b:s4+s17], $0x1, s15, s17, $0xb8;
	[tilespmem:$0xE50] =	vst v63  }
0x176: {  	_ = 	snop  }
0x177: {  	[tilespmem:s26], [sflag:$0x2] =	stream.indirect.gather [hbm4b:s4+s19], $0x1, s25, s19, $0xb8;
	[tilespmem:$0xE50] =	vst v63  }
0x178: {  	_ = 	snop  }
0x179: {  	[tilespmem:s28], [sflag:$0x2] =	stream.indirect.gather [hbm4b:s5+s17], $0x1, s15, s17, $0xb8;
	[tilespmem:$0xE50] =	vst v63  }
0x17a: {  	_ = 	snop  }
0x17b: {  	[tilespmem:s29], [sflag:$0x2] =	stream.indirect.gather [hbm4b:s5+s19], $0x1, s25, s19, $0xb8;
	[tilespmem:$0xE50] =	vst v63  }
0x17c: {  	_ =	swait.ge [sflag:s30], $0x60  }
0x17d: {  	[sflag:s30] =	ssyncset.done $0x0  }
0x17e: {  	[sflag:s30] =	ssyncadd.s32 $0xFFFFFFA0  }
0x17f: {  	_ =	swait.ge [sflag:s30], $0x68  }
0x180: {  	[sflag:s30] =	ssyncset.done $0x0  }
0x181: {  	[sflag:s30] =	ssyncadd.s32 $0xFFFFFF98  }
0x182: {  	_ =	swait.ge [sflag:s30], $0x60  }
0x183: {  	[sflag:s30] =	ssyncset.done $0x0  }
0x184: {  	[sflag:s30] =	ssyncadd.s32 $0xFFFFFFA0  }
0x185: {  	_ =	swait.ge [sflag:s30], $0x68  }
0x186: {  	[sflag:s30] =	ssyncset.done $0x0  }
0x187: {  	[sflag:s30] =	ssyncadd.s32 $0xFFFFFF98  }
0x188: {  	_ =	swait.ge [sflag:s31], $0x60  }
0x189: {  	[sflag:s31] =	ssyncset.done $0x0  }
0x18a: {  	[sflag:s31] =	ssyncadd.s32 $0xFFFFFFA0  }
0x18b: {  	s12 =	simm.s32 $0x0;
	_ =	swait.ge [sflag:s31], $0x68  }
0x18c: {  	v3 =	vmov s12;
	[sflag:s31] =	ssyncset.done $0x0  }
0x18d: {  	v3 =	vshll.u32 v3, $0x4;
	[sflag:s31] =	ssyncadd.s32 $0xFFFFFF98  }
0x18e: {  	v3 =	vor.u32 v1, v3;
	_ =	swait.ge [sflag:s31], $0x60  }
0x18f: {  	v3 =	vor.u32 v2, v3;
	[sflag:s31] =	ssyncset.done $0x0  }
0x190: {  	[sflag:s31] =	ssyncadd.s32 $0xFFFFFFA0  }
0x191: {  	_ =	swait.ge [sflag:s31], $0x68  }
0x192: {  	[sflag:s31] =	ssyncset.done $0x0  }
0x193: {  	s13 =	simm.s32 $0x8;
	[sflag:s31] =	ssyncadd.s32 $0xFFFFFF98  }
0x194: {  	v5 =	vld.idx.msk [tilespmem:v3+s0+$0x0], $0xffff;
	v3 =	vmov s13  }
0x195: {  	v3 =	vshll.u32 v3, $0x4  }
0x196: {  	v3 =	vor.u32 v1, v3  }
0x197: {  	v3 =	vor.u32 v2, v3;
	_ =	sdelay $0x2  }
0x198: {  	s2 =	simm.s32 $0xD50;
	s14 =	simm.s32 $0x10  }
0x199: {  	v4 =	vmov s14;
	s6 =	simm.s32 $0x18;
	[tilespmem:s2+$0x0] =	vst v5  }
.LBB2_4:
0x19a: {  	p0 =	sne.s32 s6, $0x78;
	v4 =	vshll.u32 v4, $0x4;
	v5 =	vld.idx.msk [tilespmem:v3+s0+$0x0], $0xffff  }
0x19b: {  	v3 =	vor.u32 v1, v4  }
.Ltmp1:
0x19c: {  	v3 =	vor.u32 v2, v3;
	(pc) =	sbr.rel @p0 .LBB2_4-.Ltmp1, $3  }
0x19d: {  	_ =	sdelay $0x1  }
0x19e: {  	s2 =	sadd.s32 $0x10, s2  }
0x19f: {  	v4 =	vmov s6;
	s6 =	sadd.s32 $0x8, s6;
	[tilespmem:s2+$0x0] =	vst v5  }
0x1a0: {  	_ =	sdelay $0x2  }
0x1a1: {  	v4 =	vshll.u32 v4, $0x4  }
0x1a2: {  	v3 =	vld.idx.msk [tilespmem:v3+s0+$0x0], $0xffff;
	v4 =	vor.u32 v1, v4  }
0x1a3: {  	v4 =	vor.u32 v2, v4;
	_ =	sdelay $0x2  }
0x1a4: {  	s2 =	sadd.s32 $0x10, s2  }
0x1a5: {  	[tilespmem:s2+$0x0] =	vst v3  }
0x1a6: {  	v3 =	vld.idx.msk [tilespmem:v4+s0+$0x0], $0xffff;
	_ =	sdelay $0x3  }
0x1a7: {  	s2 =	sadd.s32 $0x10, s2  }
0x1a8: {  	s12 =	rddreg [dreg:$0xa];
	s6 =	simm.s32 $0xD50;
	s7 =	simm.s32 $0x5;
	[tilespmem:s2+$0x0] =	vst v3  }
0x1a9: {  	[hbm4b:s12+s1] =	stream.linear.scatter [tilespmem:s6], [sflag:$0x5], $0x100, $0x38;
	[tilespmem:$0xE50] =	vst v63  }
0x1aa: {  	_ =	swait.ge [sflag:s7], $0x100  }
0x1ab: {  	s13 =	rddreg [dreg:$0xc]  }
0x1ac: {  	s14 =	rddreg [dreg:$0xb];
	s6 =	sadd.s32 $0x1, s13  }
0x1ad: {  	p0 =	sne.s32 s6, s14  }
.Ltmp2:
0x1ae: {  	_ = 	snop;
	(pc) =	sbr.rel @p0 .LBB2_1-.Ltmp2, $3  }
0x1af: {  	_ =	sdelay $0x1  }
0x1b0: {  	[sflag:s7] =	ssyncset.done $0x0  }
0x1b1: {  	[sflag:s7] =	ssyncadd.s32 $0xFFFFFF00  }
0x1b2: {  	_ =	sfence.sel $0x180000  }
0x1b3: {  	[bflag:$0x0] =	sbarrier.arrive $0xFFFF  }
0x1b4: {  	_ =	strace $0x90000047  }
0x1b5: {  	s0 =	stileid.u32;
	[bflag:$0x2] =	sbarrier.arrive $0xFFFF  }
0x1b6: {  	p0 =	sne.s32 s0, $0x0;
	s0 =	rddreg [dreg:$0x3]  }
0x1b7: {  	s0 =	sadd.s32 @!p0 $0x100000, s0  }
0x1b8: {  	[sflag:s0] =	ssyncadd.tile.s32 @!p0 $0x1;
	_ =	shalt  }
.Lfunc_end2:
_tile_overlayer_lowered:
.L_overlay_start_2:
0x1b9: {  	(tag) =	ssettag $0x2  }
0x1ba: {  	s0 =	rddreg [dreg:$0x0];
	s2 =	stileid.u32  }
0x1bb: {  	s1 =	rddreg [dreg:$0x1];
	p0 =	sne.s32 s2, $0x0  }
0x1bc: {  	s3 =	rddreg [dreg:$0x2];
	[bflag:$0x3] =	sbarrier.arrive $0xFFFF;
	s2 =	simm.s32 @!p0 $0x1C05  }
0x1bd: {  	[timem:s3], [sflag:s2] =	dma.local @!p0 [hbm:s0], s1  }
0x1be: {  	s0 =	simm.s32 @!p0 $0x5  }
0x1bf: {  	_ =	swait.ge @!p0 [sflag:s0], s1  }
0x1c0: {  	s1 =	ssub.s32 @!p0 $0x0, s1;
	[sflag:s0] =	ssyncset.done @!p0 $0x0  }
0x1c1: {  	[sflag:s0] =	ssyncadd.s32 @!p0 s1  }
0x1c2: {  	[bflag:$0x3] =	sbarrier.arrive $0xFFFF  }
0x1c3: {  	_ =	shalt  }

</sc_bundles>
